<compile_context>
chip_gen: v7x
topology: tpu7x:2x2x1
jax: 0.10.2.dev20260603
libtpu: 0.0.44.dev20260713+nightly
codegen_flags: <defaults>
</compile_context>

<pallas_src>
import functools

import jax
import jax.numpy as jnp
from jax import lax
from jax.experimental import pallas as pl
from jax.experimental.pallas import tpu as pltpu
from jax.experimental.pallas import tpu_sc as plsc

T, D, E, K = 2048, 768, 64, 2
B = 64
NB = T * K // B + E
P = NB * B

NC, NS = 2, 16
NW = NC * NS

_SC_MESH = dict(core_axis_name="c", subcore_axis_name="s",
                num_cores=NC, num_subcores=NS)


def _gating_body(x_ref, wg_ref, bg_ref, pslot_ref, w_ref, rix_ref, rexp_ref,
                 aux_ref):
    x = x_ref[...]
    logits = jnp.dot(x, wg_ref[...], preferred_element_type=jnp.float32)
    logits = logits + bg_ref[...]

    m0 = jnp.max(logits, axis=1, keepdims=True)
    ex = jnp.exp(logits - m0)
    gates = ex / jnp.sum(ex, axis=1, keepdims=True)
    imp = jnp.mean(gates, axis=0, keepdims=True)
    aux_ref[...] = jnp.sum((1.0 / E) * (jnp.log(1.0 / E) - jnp.log(imp)),
                           keepdims=True)

    lanes = lax.broadcasted_iota(jnp.int32, (T, E), 1)
    a0 = jnp.min(jnp.where(logits == m0, lanes, E), axis=1)
    masked = jnp.where(lanes == a0[:, None], -jnp.inf, logits)
    m1 = jnp.max(masked, axis=1, keepdims=True)
    a1 = jnp.min(jnp.where(masked == m1, lanes, E), axis=1)
    t = jnp.exp(m1 - m0)
    w0 = 1.0 / (1.0 + t)
    w_ref[0, :] = w0[:, 0]
    w_ref[1, :] = (t * w0)[:, 0]

    oh0 = (lanes == a0[:, None]).astype(jnp.float32)
    oh1 = (lanes == a1[:, None]).astype(jnp.float32)
    tri = (lax.broadcasted_iota(jnp.int32, (T, T), 0)
           > lax.broadcasted_iota(jnp.int32, (T, T), 1)).astype(jnp.float32)
    c0 = jnp.dot(tri, oh0, preferred_element_type=jnp.float32)
    c1 = jnp.dot(tri, oh1, preferred_element_type=jnp.float32)
    r0 = jnp.sum(c0 * oh0, axis=1)
    r1 = jnp.sum(c1 * oh1, axis=1)
    n0 = jnp.sum(oh0, axis=0, keepdims=True)
    n1 = jnp.sum(oh1, axis=0, keepdims=True)
    counts = (n0 + n1).astype(jnp.int32)
    pcounts = ((counts + (B - 1)) // B) * B
    etri = (lax.broadcasted_iota(jnp.int32, (E, E), 0)
            < lax.broadcasted_iota(jnp.int32, (E, E), 1)).astype(jnp.float32)
    poff = jnp.dot(pcounts.astype(jnp.float32), etri,
                   preferred_element_type=jnp.float32)
    poff_a0 = jnp.sum(poff * oh0, axis=1)
    poff_a1 = jnp.sum(poff * oh1, axis=1)
    n0_a1 = jnp.sum(n0 * oh1, axis=1)
    pslot_ref[0, :] = (poff_a0 + r0).astype(jnp.int32)
    pslot_ref[1, :] = (poff_a1 + n0_a1 + r1).astype(jnp.int32)

    bidx = (lax.broadcasted_iota(jnp.int32, (NB, E), 0) * B).astype(
        jnp.float32)
    blk = jnp.sum((poff <= bidx).astype(jnp.int32), axis=1) - 1
    ncross = jnp.sum(((poff > bidx - float(B)) & (poff <= bidx)).astype(
        jnp.float32), axis=1)
    chg = jnp.where((lax.broadcasted_iota(jnp.int32, (NB, 1), 0) > 0)[:, 0]
                    & (ncross >= 1.0), 1.0, 0.0).reshape(1, NB)
    btri = (lax.broadcasted_iota(jnp.int32, (NB, NB), 0)
            <= lax.broadcasted_iota(jnp.int32, (NB, NB), 1)).astype(
                jnp.float32)
    rix = jnp.dot(chg, btri, preferred_element_type=jnp.float32)
    rix_i = rix.astype(jnp.int32)
    rix_ref[0, :] = rix_i[0]
    run_oh = (rix_i[0][:, None]
              == lax.broadcasted_iota(jnp.int32, (NB, NB), 1))
    rexp_ref[0, :] = jnp.max(jnp.where(run_oh, blk[:, None], -1), axis=0)


def _gating(x, Wg, bg):
    return pl.pallas_call(
        _gating_body,
        out_shape=[
            jax.ShapeDtypeStruct((2, T), jnp.int32),
            jax.ShapeDtypeStruct((2, T), jnp.float32),
            jax.ShapeDtypeStruct((1, NB), jnp.int32),
            jax.ShapeDtypeStruct((1, NB), jnp.int32),
            jax.ShapeDtypeStruct((1, 1), jnp.float32),
        ],
    )(x, Wg, bg.reshape(1, E))


_APW = T * K // NW


def _dispatch_body(x_hbm, pslot_hbm, xs_hbm, idx_v, rows_v, sem):
    wid = lax.axis_index("s") * NC + lax.axis_index("c")
    base = wid * _APW
    tok0 = pl.multiple_of(base & (T - 1), 8)
    pltpu.sync_copy(pslot_hbm.at[pl.ds(base, _APW)], idx_v.at[0])
    pltpu.sync_copy(x_hbm.at[pl.ds(tok0, _APW)], rows_v)
    pltpu.async_copy(rows_v, xs_hbm.at[idx_v.at[0]], sem).wait()


def _dispatch(x, pslot_flat):
    return pl.kernel(
        _dispatch_body,
        out_type=jax.ShapeDtypeStruct((P, D), jnp.float32),
        mesh=plsc.VectorSubcoreMesh(**_SC_MESH),
        scratch_types=[
            pltpu.VMEM((1, _APW), jnp.int32),
            pltpu.VMEM((_APW, D), jnp.float32),
            pltpu.SemaphoreType.DMA,
        ],
    )(x, pslot_flat)


_NWB = 3


def _expert_body(rix_ref, rexp_ref, xs_ref, we_hbm, be_ref, ys_ref,
                 we_buf, sems):
    b = pl.program_id(0)
    r = rix_ref[b]
    rmax = rix_ref[NB - 1]
    first = jnp.logical_or(b == 0, r != rix_ref[jnp.maximum(b - 1, 0)])

    def _issue(rr):
        pltpu.make_async_copy(we_hbm.at[rexp_ref[rr]],
                              we_buf.at[rr % _NWB],
                              sems.at[rr % _NWB]).start()

    @pl.when(b == 0)
    def _():
        _issue(0)

    @pl.when(jnp.logical_and(b == 0, rmax >= 1))
    def _():
        _issue(1)

    @pl.when(jnp.logical_and(b == 0, rmax >= 2))
    def _():
        _issue(2)

    @pl.when(jnp.logical_and(first,
                             jnp.logical_and(b > 0, r + 2 <= rmax)))
    def _():
        _issue(r + 2)

    @pl.when(first)
    def _():
        pltpu.make_async_copy(we_hbm.at[rexp_ref[r]],
                              we_buf.at[r % _NWB],
                              sems.at[r % _NWB]).wait()

    acc = jnp.dot(xs_ref[...], we_buf[r % _NWB],
                  preferred_element_type=jnp.float32)
    ys_ref[...] = acc + be_ref[0]


def _expert_matmul(rix, rexp, xs, We, be):
    grid_spec = pltpu.PrefetchScalarGridSpec(
        num_scalar_prefetch=2,
        grid=(NB,),
        in_specs=[
            pl.BlockSpec((B, D), lambda b, rix_r, rexp_r: (b, 0)),
            pl.BlockSpec(memory_space=pl.ANY),
            pl.BlockSpec((1, 1, D),
                         lambda b, rix_r, rexp_r: (rexp_r[rix_r[b]], 0, 0)),
        ],
        out_specs=pl.BlockSpec((B, D), lambda b, rix_r, rexp_r: (b, 0)),
        scratch_shapes=[
            pltpu.VMEM((_NWB, D, D), jnp.float32),
            pltpu.SemaphoreType.DMA((_NWB,)),
        ],
    )
    return pl.pallas_call(
        _expert_body,
        grid_spec=grid_spec,
        out_shape=jax.ShapeDtypeStruct((P, D), jnp.float32),
    )(rix, rexp, xs, We, be.reshape(E, 1, D))


_TPW = T // NW


def _gather2_body(ys_hbm, pos0_hbm, pos1_hbm, sel_hbm, i0, i1, r0, r1, s0, s1):
    wid = lax.axis_index("s") * NC + lax.axis_index("c")
    base = wid * _TPW
    pltpu.sync_copy(pos0_hbm.at[pl.ds(base, _TPW)], i0)
    pltpu.sync_copy(pos1_hbm.at[pl.ds(base, _TPW)], i1)
    c0 = pltpu.async_copy(ys_hbm.at[i0], r0, s0)
    c1 = pltpu.async_copy(ys_hbm.at[i1], r1, s1)
    c0.wait()
    c1.wait()
    pltpu.sync_copy(r0, sel_hbm.at[pl.ds(base, _TPW)])
    pltpu.sync_copy(r1, sel_hbm.at[pl.ds(T + base, _TPW)])


def _gather2(ys, pos0, pos1):
    return pl.kernel(
        _gather2_body,
        out_type=jax.ShapeDtypeStruct((2 * T, D), jnp.float32),
        mesh=plsc.VectorSubcoreMesh(**_SC_MESH),
        scratch_types=[
            pltpu.VMEM((_TPW,), jnp.int32),
            pltpu.VMEM((_TPW,), jnp.int32),
            pltpu.VMEM((_TPW, D), jnp.float32),
            pltpu.VMEM((_TPW, D), jnp.float32),
            pltpu.SemaphoreType.DMA,
            pltpu.SemaphoreType.DMA,
        ],
    )(ys, pos0, pos1)


_AR = 256


def _add_body(sel_ref, w_ref, out_ref):
    out_ref[...] = (sel_ref[0] * w_ref[0, 0, :][:, None]
                    + sel_ref[1] * w_ref[1, 0, :][:, None])


def _combine(ys, pos0, pos1, wgt):
    sel = _gather2(ys, pos0, pos1).reshape(2, T, D)
    return pl.pallas_call(
        _add_body,
        grid=(T // _AR,),
        in_specs=[
            pl.BlockSpec((2, _AR, D), lambda i: (0, i, 0)),
            pl.BlockSpec((2, 1, _AR), lambda i: (0, 0, i)),
        ],
        out_specs=pl.BlockSpec((_AR, D), lambda i: (i, 0)),
        out_shape=jax.ShapeDtypeStruct((T, D), jnp.float32),
    )(sel, wgt.reshape(2, 1, T))


def kernel(x, We, be, Wg, bg):
    pslot, wgt, rix, rexp, aux = _gating(x, Wg, bg)
    xs = _dispatch(x, pslot.reshape(T * K))
    ys = _expert_matmul(rix.reshape(NB), rexp.reshape(NB), xs, We, be)
    out = _combine(ys, pslot[0], pslot[1], wgt)
    return out, aux.reshape(())

# --- scband reference (transcript-rebuilt; emitter-appended) ---
"""Pipeline reference for scband-mo-e-layer-21457656611083 (READ-ONLY COPY).

The authoritative reference and input builder live on the scoring server;
editing this copy changes nothing except your own understanding.
"""

import jax, jax.numpy as jnp
import numpy as np

T, D, E, TOP_K = 2048, 768, 64, 2

def setup_inputs(seed: int = 0) -> dict:
    key = jax.random.key(seed)
    ks = jax.random.split(key, 5)
    x = jax.random.normal(ks[0], (T, D), dtype=jnp.float32)
    We = jax.random.normal(ks[1], (E, D, D), dtype=jnp.float32) * (1.0 / np.sqrt(D))
    be = jax.random.normal(ks[2], (E, D), dtype=jnp.float32) * 0.01
    Wg = jax.random.normal(ks[3], (D, E), dtype=jnp.float32) * (1.0 / np.sqrt(D))
    bg = jax.random.normal(ks[4], (E,), dtype=jnp.float32) * 0.01
    return {"x": x, "We": We, "be": be, "Wg": Wg, "bg": bg}

def reference(x, We, be, Wg, bg):
    # expert_outputs = stack([expert_i(x) for i in range(E)], dim=1) -> [T, E, D]
    expert_outputs = jnp.einsum('td,edf->tef', x, We) + be[None, :, :]
    # gate
    gate_logits = x @ Wg + bg  # [T, E]
    # aux load-balancing loss (KL(importance || uniform), torch F.kl_div(log_imp, target, sum))
    gates = jax.nn.softmax(gate_logits, axis=-1)
    importance = gates.mean(axis=0)  # [E]
    target = jnp.ones_like(importance) / E
    aux_loss = jnp.sum(target * (jnp.log(target) - jnp.log(importance)))
    # top-k routing
    topk_logits, topk_idx = jax.lax.top_k(gate_logits, TOP_K)  # [T, k]
    topk_w = jax.nn.softmax(topk_logits, axis=1)  # [T, k]
    selected = jnp.take_along_axis(expert_outputs, topk_idx[:, :, None], axis=1)  # [T, k, D]
    output = jnp.sum(topk_w[:, :, None] * selected, axis=1)  # [T, D]
    return (output, aux_loss)

if __name__ == "__main__":
    import jax
    _d = setup_inputs()
    print(jax.jit(kernel)(*tuple(_d.values())))

</pallas_src>

<mosaic_0001>
#map = affine_map<(d0, d1) -> (0, 0)>
#map1 = affine_map<(d0, d1) -> (0)>
module attributes {stable_mosaic.version = 14 : i64} {
  func.func @_gather2_body(%arg0: i32, %arg1: i32, %arg2: memref<8192x768xf32, #tpu.memory_space<hbm>>, %arg3: memref<2048xi32, #tpu.memory_space<hbm>>, %arg4: memref<2048xi32, #tpu.memory_space<hbm>>, %arg5: memref<4096x768xf32, #tpu.memory_space<hbm>>, %arg6: memref<64xi32, #tpu.memory_space<vmem>>, %arg7: memref<64xi32, #tpu.memory_space<vmem>>, %arg8: memref<64x768xf32, #tpu.memory_space<vmem>>, %arg9: memref<64x768xf32, #tpu.memory_space<vmem>>, %arg10: memref<!tpu.dma_semaphore, #tpu.memory_space<semaphore_mem>>, %arg11: memref<!tpu.dma_semaphore, #tpu.memory_space<semaphore_mem>>) attributes {dimension_semantics = [#tpu.dimension_semantics<core_parallel>, #tpu.dimension_semantics<subcore_parallel>], iteration_bounds = array<i64: 2, 16>, scalar_prefetch = 0 : i64, scratch_operands = 6 : i64, tpu.core_type = #tpu.core_type<sc_vector_subcore>, window_params = [{transform_indices = #map}, {transform_indices = #map1}, {transform_indices = #map1}, {transform_indices = #map}]} {
    %mul3A = arith.constant 2 : i32
    %mul3A_0 = arith.muli %arg1, %mul3A : i32
    %add3A = arith.addi %mul3A_0, %arg0 : i32
    %mul3A_1 = arith.constant 64 : i32
    %mul3A_2 = arith.muli %add3A, %mul3A_1 : i32
    "tpu.region"() ({
      %run_scoped3A = tpu.sem_alloc : memref<!tpu.dma_semaphore, #tpu.memory_space<semaphore_mem>>
      %dma_start3A_15 = tpu.memref_slice %arg3[%mul3A_2] : memref<2048xi32, #tpu.memory_space<hbm>> -> memref<64xi32, #tpu.memory_space<hbm>>
      %dma_start3A_16 = tpu.memref_slice %arg3[%mul3A_2] : memref<2048xi32, #tpu.memory_space<hbm>> -> memref<64xi32, #tpu.memory_space<hbm>>
      tpu.enqueue_dma source(%dma_start3A_16 : memref<64xi32, #tpu.memory_space<hbm>>) target(%arg6 : memref<64xi32, #tpu.memory_space<vmem>>) target_semaphore(%run_scoped3A : memref<!tpu.dma_semaphore, #tpu.memory_space<semaphore_mem>>)
      %dma_wait3A_17 = tpu.memref_slice %arg3[%mul3A_2] : memref<2048xi32, #tpu.memory_space<hbm>> -> memref<64xi32, #tpu.memory_space<hbm>>
      %dma_wait3A_18 = tpu.memref_slice %arg3[%mul3A_2] : memref<2048xi32, #tpu.memory_space<hbm>> -> memref<64xi32, #tpu.memory_space<hbm>>
      tpu.wait_dma2 semaphore(%run_scoped3A : memref<!tpu.dma_semaphore, #tpu.memory_space<semaphore_mem>>) src(%dma_wait3A_18 : memref<64xi32, #tpu.memory_space<hbm>>) dst(%arg6 : memref<64xi32, #tpu.memory_space<vmem>>)
      tpu.yield
    }) : () -> ()
    "tpu.region"() ({
      %run_scoped3A = tpu.sem_alloc : memref<!tpu.dma_semaphore, #tpu.memory_space<semaphore_mem>>
      %dma_start3A_15 = tpu.memref_slice %arg4[%mul3A_2] : memref<2048xi32, #tpu.memory_space<hbm>> -> memref<64xi32, #tpu.memory_space<hbm>>
      %dma_start3A_16 = tpu.memref_slice %arg4[%mul3A_2] : memref<2048xi32, #tpu.memory_space<hbm>> -> memref<64xi32, #tpu.memory_space<hbm>>
      tpu.enqueue_dma source(%dma_start3A_16 : memref<64xi32, #tpu.memory_space<hbm>>) target(%arg7 : memref<64xi32, #tpu.memory_space<vmem>>) target_semaphore(%run_scoped3A : memref<!tpu.dma_semaphore, #tpu.memory_space<semaphore_mem>>)
      %dma_wait3A_17 = tpu.memref_slice %arg4[%mul3A_2] : memref<2048xi32, #tpu.memory_space<hbm>> -> memref<64xi32, #tpu.memory_space<hbm>>
      %dma_wait3A_18 = tpu.memref_slice %arg4[%mul3A_2] : memref<2048xi32, #tpu.memory_space<hbm>> -> memref<64xi32, #tpu.memory_space<hbm>>
      tpu.wait_dma2 semaphore(%run_scoped3A : memref<!tpu.dma_semaphore, #tpu.memory_space<semaphore_mem>>) src(%dma_wait3A_18 : memref<64xi32, #tpu.memory_space<hbm>>) dst(%arg7 : memref<64xi32, #tpu.memory_space<vmem>>)
      tpu.yield
    }) : () -> ()
    %dma_start3A = arith.constant 0 : i32
    %dma_start3A_3 = arith.constant 0 : i32
    %dma_start3A_4 = tpu.memref_slice %arg2[%dma_start3A, %dma_start3A_3] : memref<8192x768xf32, #tpu.memory_space<hbm>> -> memref<8192x768xf32, #tpu.memory_space<hbm>>
    tpu.enqueue_indirect_dma source(%dma_start3A_4 : memref<8192x768xf32, #tpu.memory_space<hbm>>) target(%arg8 : memref<64x768xf32, #tpu.memory_space<vmem>>) offsets(%arg6 : memref<64xi32, #tpu.memory_space<vmem>>) semaphore(%arg10 : memref<!tpu.dma_semaphore, #tpu.memory_space<semaphore_mem>>)
    %dma_start3A_5 = arith.constant 0 : i32
    %dma_start3A_6 = arith.constant 0 : i32
    %dma_start3A_7 = tpu.memref_slice %arg2[%dma_start3A_5, %dma_start3A_6] : memref<8192x768xf32, #tpu.memory_space<hbm>> -> memref<8192x768xf32, #tpu.memory_space<hbm>>
    tpu.enqueue_indirect_dma source(%dma_start3A_7 : memref<8192x768xf32, #tpu.memory_space<hbm>>) target(%arg9 : memref<64x768xf32, #tpu.memory_space<vmem>>) offsets(%arg7 : memref<64xi32, #tpu.memory_space<vmem>>) semaphore(%arg11 : memref<!tpu.dma_semaphore, #tpu.memory_space<semaphore_mem>>)
    %dma_wait3A = arith.constant 0 : i32
    %dma_wait3A_8 = arith.constant 0 : i32
    %dma_wait3A_9 = tpu.memref_slice %arg2[%dma_wait3A, %dma_wait3A_8] : memref<8192x768xf32, #tpu.memory_space<hbm>> -> memref<8192x768xf32, #tpu.memory_space<hbm>>
    tpu.wait_indirect_dma semaphore(%arg10 : memref<!tpu.dma_semaphore, #tpu.memory_space<semaphore_mem>>) src(%dma_wait3A_9 : memref<8192x768xf32, #tpu.memory_space<hbm>>) dst(%arg8 : memref<64x768xf32, #tpu.memory_space<vmem>>)
    %dma_wait3A_10 = arith.constant 0 : i32
    %dma_wait3A_11 = arith.constant 0 : i32
    %dma_wait3A_12 = tpu.memref_slice %arg2[%dma_wait3A_10, %dma_wait3A_11] : memref<8192x768xf32, #tpu.memory_space<hbm>> -> memref<8192x768xf32, #tpu.memory_space<hbm>>
    tpu.wait_indirect_dma semaphore(%arg11 : memref<!tpu.dma_semaphore, #tpu.memory_space<semaphore_mem>>) src(%dma_wait3A_12 : memref<8192x768xf32, #tpu.memory_space<hbm>>) dst(%arg9 : memref<64x768xf32, #tpu.memory_space<vmem>>)
    "tpu.region"() ({
      %run_scoped3A = tpu.sem_alloc : memref<!tpu.dma_semaphore, #tpu.memory_space<semaphore_mem>>
      %dma_start3A_15 = arith.constant 0 : i32
      %dma_start3A_16 = tpu.memref_slice %arg5[%mul3A_2, %dma_start3A_15] : memref<4096x768xf32, #tpu.memory_space<hbm>> -> memref<64x768xf32, #tpu.memory_space<hbm>>
      %dma_start3A_17 = arith.constant 0 : i32
      %dma_start3A_18 = tpu.memref_slice %arg5[%mul3A_2, %dma_start3A_17] : memref<4096x768xf32, #tpu.memory_space<hbm>> -> memref<64x768xf32, #tpu.memory_space<hbm>>
      tpu.enqueue_dma source(%arg8 : memref<64x768xf32, #tpu.memory_space<vmem>>) target(%dma_start3A_18 : memref<64x768xf32, #tpu.memory_space<hbm>>) target_semaphore(%run_scoped3A : memref<!tpu.dma_semaphore, #tpu.memory_space<semaphore_mem>>)
      %dma_wait3A_19 = arith.constant 0 : i32
      %dma_wait3A_20 = tpu.memref_slice %arg5[%mul3A_2, %dma_wait3A_19] : memref<4096x768xf32, #tpu.memory_space<hbm>> -> memref<64x768xf32, #tpu.memory_space<hbm>>
      %dma_wait3A_21 = arith.constant 0 : i32
      %dma_wait3A_22 = tpu.memref_slice %arg5[%mul3A_2, %dma_wait3A_21] : memref<4096x768xf32, #tpu.memory_space<hbm>> -> memref<64x768xf32, #tpu.memory_space<hbm>>
      tpu.wait_dma2 semaphore(%run_scoped3A : memref<!tpu.dma_semaphore, #tpu.memory_space<semaphore_mem>>) src(%arg8 : memref<64x768xf32, #tpu.memory_space<vmem>>) dst(%dma_wait3A_22 : memref<64x768xf32, #tpu.memory_space<hbm>>)
      tpu.yield
    }) : () -> ()
    %add3A_13 = arith.constant 2048 : i32
    %add3A_14 = arith.addi %add3A_13, %mul3A_2 : i32
    "tpu.region"() ({
      %run_scoped3A = tpu.sem_alloc : memref<!tpu.dma_semaphore, #tpu.memory_space<semaphore_mem>>
      %dma_start3A_15 = arith.constant 0 : i32
      %dma_start3A_16 = tpu.memref_slice %arg5[%add3A_14, %dma_start3A_15] : memref<4096x768xf32, #tpu.memory_space<hbm>> -> memref<64x768xf32, #tpu.memory_space<hbm>>
      %dma_start3A_17 = arith.constant 0 : i32
      %dma_start3A_18 = tpu.memref_slice %arg5[%add3A_14, %dma_start3A_17] : memref<4096x768xf32, #tpu.memory_space<hbm>> -> memref<64x768xf32, #tpu.memory_space<hbm>>
      tpu.enqueue_dma source(%arg9 : memref<64x768xf32, #tpu.memory_space<vmem>>) target(%dma_start3A_18 : memref<64x768xf32, #tpu.memory_space<hbm>>) target_semaphore(%run_scoped3A : memref<!tpu.dma_semaphore, #tpu.memory_space<semaphore_mem>>)
      %dma_wait3A_19 = arith.constant 0 : i32
      %dma_wait3A_20 = tpu.memref_slice %arg5[%add3A_14, %dma_wait3A_19] : memref<4096x768xf32, #tpu.memory_space<hbm>> -> memref<64x768xf32, #tpu.memory_space<hbm>>
      %dma_wait3A_21 = arith.constant 0 : i32
      %dma_wait3A_22 = tpu.memref_slice %arg5[%add3A_14, %dma_wait3A_21] : memref<4096x768xf32, #tpu.memory_space<hbm>> -> memref<64x768xf32, #tpu.memory_space<hbm>>
      tpu.wait_dma2 semaphore(%run_scoped3A : memref<!tpu.dma_semaphore, #tpu.memory_space<semaphore_mem>>) src(%arg9 : memref<64x768xf32, #tpu.memory_space<vmem>>) dst(%dma_wait3A_22 : memref<64x768xf32, #tpu.memory_space<hbm>>)
      tpu.yield
    }) : () -> ()
    return
  }
}

#map = affine_map<(d0, d1) -> (0, 0)>
#map1 = affine_map<(d0, d1) -> (0)>
module attributes {stable_mosaic.version = 14 : i64} {
  func.func @_dispatch_body(%arg0: i32, %arg1: i32, %arg2: memref<2048x768xf32, #tpu.memory_space<hbm>>, %arg3: memref<4096xi32, #tpu.memory_space<hbm>>, %arg4: memref<8192x768xf32, #tpu.memory_space<hbm>>, %arg5: memref<1x128xi32, #tpu.memory_space<vmem>>, %arg6: memref<128x768xf32, #tpu.memory_space<vmem>>, %arg7: memref<!tpu.dma_semaphore, #tpu.memory_space<semaphore_mem>>) attributes {dimension_semantics = [#tpu.dimension_semantics<core_parallel>, #tpu.dimension_semantics<subcore_parallel>], iteration_bounds = array<i64: 2, 16>, scalar_prefetch = 0 : i64, scratch_operands = 3 : i64, tpu.core_type = #tpu.core_type<sc_vector_subcore>, window_params = [{transform_indices = #map}, {transform_indices = #map1}, {transform_indices = #map}]} {
    %mul3A = arith.constant 2 : i32
    %mul3A_0 = arith.muli %arg1, %mul3A : i32
    %add3A = arith.addi %mul3A_0, %arg0 : i32
    %mul3A_1 = arith.constant 128 : i32
    %mul3A_2 = arith.muli %add3A, %mul3A_1 : i32
    %and3A = arith.constant 2047 : i32
    %and3A_3 = arith.andi %mul3A_2, %and3A : i32
    %multiple_of3A = tpu.assume_multiple %and3A_3, 8 : i32
    %run_scoped3A = arith.constant 0 : i32
    "tpu.region"() ({
      %run_scoped3A_16 = tpu.sem_alloc : memref<!tpu.dma_semaphore, #tpu.memory_space<semaphore_mem>>
      %dma_start3A_17 = arith.constant 0 : i32
      %dma_start3A_18 = tpu.memref_slice %arg5[%run_scoped3A, %dma_start3A_17] : memref<1x128xi32, #tpu.memory_space<vmem>> -> memref<1x128xi32, #tpu.memory_space<vmem>>
      %dma_start3A_19 = tpu.memref_squeeze %dma_start3A_18 : memref<1x128xi32, #tpu.memory_space<vmem>> -> memref<128xi32, #tpu.memory_space<vmem>>
      %dma_start3A_20 = tpu.memref_slice %arg3[%mul3A_2] : memref<4096xi32, #tpu.memory_space<hbm>> -> memref<128xi32, #tpu.memory_space<hbm>>
      %dma_start3A_21 = arith.constant 0 : i32
      %dma_start3A_22 = tpu.memref_slice %arg5[%run_scoped3A, %dma_start3A_21] : memref<1x128xi32, #tpu.memory_space<vmem>> -> memref<1x128xi32, #tpu.memory_space<vmem>>
      %dma_start3A_23 = tpu.memref_squeeze %dma_start3A_22 : memref<1x128xi32, #tpu.memory_space<vmem>> -> memref<128xi32, #tpu.memory_space<vmem>>
      %dma_start3A_24 = tpu.memref_slice %arg3[%mul3A_2] : memref<4096xi32, #tpu.memory_space<hbm>> -> memref<128xi32, #tpu.memory_space<hbm>>
      tpu.enqueue_dma source(%dma_start3A_24 : memref<128xi32, #tpu.memory_space<hbm>>) target(%dma_start3A_23 : memref<128xi32, #tpu.memory_space<vmem>>) target_semaphore(%run_scoped3A_16 : memref<!tpu.dma_semaphore, #tpu.memory_space<semaphore_mem>>)
      %dma_wait3A_25 = arith.constant 0 : i32
      %dma_wait3A_26 = tpu.memref_slice %arg5[%run_scoped3A, %dma_wait3A_25] : memref<1x128xi32, #tpu.memory_space<vmem>> -> memref<1x128xi32, #tpu.memory_space<vmem>>
      %dma_wait3A_27 = tpu.memref_squeeze %dma_wait3A_26 : memref<1x128xi32, #tpu.memory_space<vmem>> -> memref<128xi32, #tpu.memory_space<vmem>>
      %dma_wait3A_28 = tpu.memref_slice %arg3[%mul3A_2] : memref<4096xi32, #tpu.memory_space<hbm>> -> memref<128xi32, #tpu.memory_space<hbm>>
      %dma_wait3A_29 = arith.constant 0 : i32
      %dma_wait3A_30 = tpu.memref_slice %arg5[%run_scoped3A, %dma_wait3A_29] : memref<1x128xi32, #tpu.memory_space<vmem>> -> memref<1x128xi32, #tpu.memory_space<vmem>>
      %dma_wait3A_31 = tpu.memref_squeeze %dma_wait3A_30 : memref<1x128xi32, #tpu.memory_space<vmem>> -> memref<128xi32, #tpu.memory_space<vmem>>
      %dma_wait3A_32 = tpu.memref_slice %arg3[%mul3A_2] : memref<4096xi32, #tpu.memory_space<hbm>> -> memref<128xi32, #tpu.memory_space<hbm>>
      tpu.wait_dma2 semaphore(%run_scoped3A_16 : memref<!tpu.dma_semaphore, #tpu.memory_space<semaphore_mem>>) src(%dma_wait3A_32 : memref<128xi32, #tpu.memory_space<hbm>>) dst(%dma_wait3A_31 : memref<128xi32, #tpu.memory_space<vmem>>)
      tpu.yield
    }) : () -> ()
    "tpu.region"() ({
      %run_scoped3A_16 = tpu.sem_alloc : memref<!tpu.dma_semaphore, #tpu.memory_space<semaphore_mem>>
      %dma_start3A_17 = arith.constant 0 : i32
      %dma_start3A_18 = tpu.memref_slice %arg2[%multiple_of3A, %dma_start3A_17] : memref<2048x768xf32, #tpu.memory_space<hbm>> -> memref<128x768xf32, #tpu.memory_space<hbm>>
      %dma_start3A_19 = arith.constant 0 : i32
      %dma_start3A_20 = tpu.memref_slice %arg2[%multiple_of3A, %dma_start3A_19] : memref<2048x768xf32, #tpu.memory_space<hbm>> -> memref<128x768xf32, #tpu.memory_space<hbm>>
      tpu.enqueue_dma source(%dma_start3A_20 : memref<128x768xf32, #tpu.memory_space<hbm>>) target(%arg6 : memref<128x768xf32, #tpu.memory_space<vmem>>) target_semaphore(%run_scoped3A_16 : memref<!tpu.dma_semaphore, #tpu.memory_space<semaphore_mem>>)
      %dma_wait3A_21 = arith.constant 0 : i32
      %dma_wait3A_22 = tpu.memref_slice %arg2[%multiple_of3A, %dma_wait3A_21] : memref<2048x768xf32, #tpu.memory_space<hbm>> -> memref<128x768xf32, #tpu.memory_space<hbm>>
      %dma_wait3A_23 = arith.constant 0 : i32
      %dma_wait3A_24 = tpu.memref_slice %arg2[%multiple_of3A, %dma_wait3A_23] : memref<2048x768xf32, #tpu.memory_space<hbm>> -> memref<128x768xf32, #tpu.memory_space<hbm>>
      tpu.wait_dma2 semaphore(%run_scoped3A_16 : memref<!tpu.dma_semaphore, #tpu.memory_space<semaphore_mem>>) src(%dma_wait3A_24 : memref<128x768xf32, #tpu.memory_space<hbm>>) dst(%arg6 : memref<128x768xf32, #tpu.memory_space<vmem>>)
      tpu.yield
    }) : () -> ()
    %dma_start3A = arith.constant 0 : i32
    %dma_start3A_4 = arith.constant 0 : i32
    %dma_start3A_5 = tpu.memref_slice %arg5[%dma_start3A, %dma_start3A_4] : memref<1x128xi32, #tpu.memory_space<vmem>> -> memref<1x128xi32, #tpu.memory_space<vmem>>
    %dma_start3A_6 = tpu.memref_squeeze %dma_start3A_5 : memref<1x128xi32, #tpu.memory_space<vmem>> -> memref<128xi32, #tpu.memory_space<vmem>>
    %dma_start3A_7 = arith.constant 0 : i32
    %dma_start3A_8 = arith.constant 0 : i32
    %dma_start3A_9 = tpu.memref_slice %arg4[%dma_start3A_7, %dma_start3A_8] : memref<8192x768xf32, #tpu.memory_space<hbm>> -> memref<8192x768xf32, #tpu.memory_space<hbm>>
    tpu.enqueue_indirect_dma source(%arg6 : memref<128x768xf32, #tpu.memory_space<vmem>>) target(%dma_start3A_9 : memref<8192x768xf32, #tpu.memory_space<hbm>>) offsets(%dma_start3A_6 : memref<128xi32, #tpu.memory_space<vmem>>) semaphore(%arg7 : memref<!tpu.dma_semaphore, #tpu.memory_space<semaphore_mem>>)
    %dma_wait3A = arith.constant 0 : i32
    %dma_wait3A_10 = arith.constant 0 : i32
    %dma_wait3A_11 = tpu.memref_slice %arg5[%dma_wait3A, %dma_wait3A_10] : memref<1x128xi32, #tpu.memory_space<vmem>> -> memref<1x128xi32, #tpu.memory_space<vmem>>
    %dma_wait3A_12 = tpu.memref_squeeze %dma_wait3A_11 : memref<1x128xi32, #tpu.memory_space<vmem>> -> memref<128xi32, #tpu.memory_space<vmem>>
    %dma_wait3A_13 = arith.constant 0 : i32
    %dma_wait3A_14 = arith.constant 0 : i32
    %dma_wait3A_15 = tpu.memref_slice %arg4[%dma_wait3A_13, %dma_wait3A_14] : memref<8192x768xf32, #tpu.memory_space<hbm>> -> memref<8192x768xf32, #tpu.memory_space<hbm>>
    tpu.wait_indirect_dma semaphore(%arg7 : memref<!tpu.dma_semaphore, #tpu.memory_space<semaphore_mem>>) src(%arg6 : memref<128x768xf32, #tpu.memory_space<vmem>>) dst(%dma_wait3A_15 : memref<8192x768xf32, #tpu.memory_space<hbm>>)
    return
  }
}

module attributes {stable_mosaic.version = 14 : i64} {
  func.func @_gating_body(%arg0: memref<2048x768xf32, #tpu.memory_space<vmem>>, %arg1: memref<768x64xf32, #tpu.memory_space<vmem>>, %arg2: memref<1x64xf32, #tpu.memory_space<vmem>>, %arg3: memref<2x2048xi32, #tpu.memory_space<vmem>>, %arg4: memref<2x2048xf32, #tpu.memory_space<vmem>>, %arg5: memref<1x128xi32, #tpu.memory_space<vmem>>, %arg6: memref<1x128xi32, #tpu.memory_space<vmem>>, %arg7: memref<1x1xf32, #tpu.memory_space<vmem>>) attributes {dimension_semantics = [], scalar_prefetch = 0 : i64, scratch_operands = 0 : i64, tpu.core_type = #tpu.core_type<tc>} {
    %get3A = arith.constant 0 : index
    %get3A_0 = arith.constant 0 : index
    %get3A_1 = vector.load %arg0[%get3A, %get3A_0] : memref<2048x768xf32, #tpu.memory_space<vmem>>, vector<2048x768xf32>
    %get3A_2 = arith.constant 0 : index
    %get3A_3 = arith.constant 0 : index
    %get3A_4 = vector.load %arg1[%get3A_2, %get3A_3] : memref<768x64xf32, #tpu.memory_space<vmem>>, vector<768x64xf32>
    %dot_general3A = arith.constant dense<0.000000e+00> : vector<2048x64xf32>
    %dot_general3A_5 = tpu.matmul %get3A_1, %get3A_4, %dot_general3A {dimension_numbers = #tpu.dot_dimension_numbers<[1], [0], [0], [1], [0, 0, 1, 1], [], []>, transpose_lhs_hint = false} : vector<2048x768xf32>, vector<768x64xf32>, vector<2048x64xf32> -> vector<2048x64xf32>
    %get3A_6 = arith.constant 0 : index
    %get3A_7 = arith.constant 0 : index
    %get3A_8 = vector.load %arg2[%get3A_6, %get3A_7] : memref<1x64xf32, #tpu.memory_space<vmem>>, vector<1x64xf32>
    %add3A = vector.broadcast %get3A_8 : vector<1x64xf32> to vector<2048x64xf32>
    %add3A_9 = arith.addf %dot_general3A_5, %add3A : vector<2048x64xf32>
    %reduce_max3A = arith.constant dense<0xFF800000> : vector<2048xf32>
    %reduce_max3A_10 = vector.multi_reduction <maximumf>, %add3A_9, %reduce_max3A [1] : vector<2048x64xf32> to vector<2048xf32>
    %broadcast_in_dim3A = vector.shape_cast %reduce_max3A_10 : vector<2048xf32> to vector<2048x1xf32>
    %sub3A = vector.broadcast %broadcast_in_dim3A : vector<2048x1xf32> to vector<2048x64xf32>
    %sub3A_11 = arith.subf %add3A_9, %sub3A : vector<2048x64xf32>
    %exp3A = math.exp %sub3A_11 : vector<2048x64xf32>
    %reduce_sum3A = arith.constant dense<0.000000e+00> : vector<2048xf32>
    %reduce_sum3A_12 = vector.multi_reduction <add>, %exp3A, %reduce_sum3A [1] : vector<2048x64xf32> to vector<2048xf32>
    %broadcast_in_dim3A_13 = vector.shape_cast %reduce_sum3A_12 : vector<2048xf32> to vector<2048x1xf32>
    %div3A = vector.broadcast %broadcast_in_dim3A_13 : vector<2048x1xf32> to vector<2048x64xf32>
    %div3A_14 = arith.divf %exp3A, %div3A : vector<2048x64xf32>
    %reduce_sum3A_15 = arith.constant dense<0.000000e+00> : vector<64xf32>
    %reduce_sum3A_16 = vector.multi_reduction <add>, %div3A_14, %reduce_sum3A_15 [0] : vector<2048x64xf32> to vector<64xf32>
    %broadcast_in_dim3A_17 = vector.shape_cast %reduce_sum3A_16 : vector<64xf32> to vector<1x64xf32>
    %div3A_18 = arith.constant 2.048000e+03 : f32
    %div3A_19 = vector.broadcast %div3A_18 : f32 to vector<1x64xf32>
    %div3A_20 = arith.divf %broadcast_in_dim3A_17, %div3A_19 : vector<1x64xf32>
    %log3A = arith.constant 1.562500e-02 : f32
    %log3A_21 = math.log %log3A : f32
    %log3A_22 = math.log %div3A_20 : vector<1x64xf32>
    %sub3A_23 = vector.broadcast %log3A_21 : f32 to vector<1x64xf32>
    %sub3A_24 = arith.subf %sub3A_23, %log3A_22 : vector<1x64xf32>
    %mul3A = arith.constant 1.562500e-02 : f32
    %mul3A_25 = vector.broadcast %mul3A : f32 to vector<1x64xf32>
    %mul3A_26 = arith.mulf %mul3A_25, %sub3A_24 : vector<1x64xf32>
    %reduce_sum3A_27 = vector.shape_cast %mul3A_26 : vector<1x64xf32> to vector<1x1x64xf32>
    %reduce_sum3A_28 = arith.constant dense<0.000000e+00> : vector<1xf32>
    %reduce_sum3A_29 = vector.multi_reduction <add>, %reduce_sum3A_27, %reduce_sum3A_28 [1, 2] : vector<1x1x64xf32> to vector<1xf32>
    %reduce_sum3A_30 = vector.shape_cast %reduce_sum3A_29 : vector<1xf32> to vector<1x1x1xf32>
    %reduce_sum3A_31 = vector.extract %reduce_sum3A_30[0, 0, 0] : f32 from vector<1x1x1xf32>
    %broadcast_in_dim3A_32 = vector.broadcast %reduce_sum3A_31 : f32 to vector<1x1xf32>
    %swap3A = arith.constant 0 : index
    %swap3A_33 = arith.constant 0 : index
    %swap3A_34 = vector.load %arg7[%swap3A, %swap3A_33] : memref<1x1xf32, #tpu.memory_space<vmem>>, vector<1x1xf32>
    tpu.vector_store %arg7[%swap3A, %swap3A_33], %broadcast_in_dim3A_32 {strides = array<i32>} : memref<1x1xf32, #tpu.memory_space<vmem>>, vector<1x1xf32>,
    %iota3A = tpu.iota {dimensions = array<i32: 1>} : vector<2048x64xi32>
    %eq3A = vector.broadcast %broadcast_in_dim3A : vector<2048x1xf32> to vector<2048x64xf32>
    %eq3A_35 = arith.cmpf oeq, %add3A_9, %eq3A : vector<2048x64xf32>
    %jit3A = arith.constant 64 : i32
    %broadcast_in_dim3A_36 = vector.broadcast %jit3A : i32 to vector<2048x64xi32>
    %select_n3A = arith.select %eq3A_35, %iota3A, %broadcast_in_dim3A_36 : vector<2048x64xi1>, vector<2048x64xi32>
    %reduce_min3A = arith.constant dense<2147483647> : vector<2048xi32>
    %reduce_min3A_37 = vector.multi_reduction <minsi>, %select_n3A, %reduce_min3A [1] : vector<2048x64xi32> to vector<2048xi32>
    %broadcast_in_dim3A_38 = vector.shape_cast %reduce_min3A_37 : vector<2048xi32> to vector<2048x1xi32>
    %eq3A_39 = vector.broadcast %broadcast_in_dim3A_38 : vector<2048x1xi32> to vector<2048x64xi32>
    %eq3A_40 = arith.cmpi eq, %iota3A, %eq3A_39 : vector<2048x64xi32>
    %jit3A_41 = arith.constant 0xFF800000 : f32
    %broadcast_in_dim3A_42 = vector.broadcast %jit3A_41 : f32 to vector<2048x64xf32>
    %select_n3A_43 = arith.select %eq3A_40, %broadcast_in_dim3A_42, %add3A_9 : vector<2048x64xi1>, vector<2048x64xf32>
    %reduce_max3A_44 = arith.constant dense<0xFF800000> : vector<2048xf32>
    %reduce_max3A_45 = vector.multi_reduction <maximumf>, %select_n3A_43, %reduce_max3A_44 [1] : vector<2048x64xf32> to vector<2048xf32>
    %broadcast_in_dim3A_46 = vector.shape_cast %reduce_max3A_45 : vector<2048xf32> to vector<2048x1xf32>
    %eq3A_47 = vector.broadcast %broadcast_in_dim3A_46 : vector<2048x1xf32> to vector<2048x64xf32>
    %eq3A_48 = arith.cmpf oeq, %select_n3A_43, %eq3A_47 : vector<2048x64xf32>
    %jit3A_49 = arith.constant 64 : i32
    %broadcast_in_dim3A_50 = vector.broadcast %jit3A_49 : i32 to vector<2048x64xi32>
    %select_n3A_51 = arith.select %eq3A_48, %iota3A, %broadcast_in_dim3A_50 : vector<2048x64xi1>, vector<2048x64xi32>
    %reduce_min3A_52 = arith.constant dense<2147483647> : vector<2048xi32>
    %reduce_min3A_53 = vector.multi_reduction <minsi>, %select_n3A_51, %reduce_min3A_52 [1] : vector<2048x64xi32> to vector<2048xi32>
    %sub3A_54 = arith.subf %broadcast_in_dim3A_46, %broadcast_in_dim3A : vector<2048x1xf32>
    %exp3A_55 = math.exp %sub3A_54 : vector<2048x1xf32>
    %add3A_56 = arith.constant 1.000000e+00 : f32
    %add3A_57 = vector.broadcast %add3A_56 : f32 to vector<2048x1xf32>
    %add3A_58 = arith.addf %add3A_57, %exp3A_55 : vector<2048x1xf32>
    %div3A_59 = arith.constant 1.000000e+00 : f32
    %div3A_60 = vector.broadcast %div3A_59 : f32 to vector<2048x1xf32>
    %div3A_61 = arith.divf %div3A_60, %add3A_58 : vector<2048x1xf32>
    %squeeze3A = vector.shape_cast %div3A_61 : vector<2048x1xf32> to vector<2048xf32>
    %swap3A_62 = arith.constant 0 : index
    %swap3A_63 = arith.constant 0 : index
    %swap3A_64 = vector.load %arg4[%swap3A_62, %swap3A_63] : memref<2x2048xf32, #tpu.memory_space<vmem>>, vector<1x2048xf32>
    %swap3A_65 = vector.shape_cast %swap3A_64 : vector<1x2048xf32> to vector<2048xf32>
    %swap3A_66 = vector.shape_cast %squeeze3A : vector<2048xf32> to vector<1x2048xf32>
    tpu.vector_store %arg4[%swap3A_62, %swap3A_63], %swap3A_66 {strides = array<i32>} : memref<2x2048xf32, #tpu.memory_space<vmem>>, vector<1x2048xf32>,
    %mul3A_67 = arith.mulf %exp3A_55, %div3A_61 : vector<2048x1xf32>
    %squeeze3A_68 = vector.shape_cast %mul3A_67 : vector<2048x1xf32> to vector<2048xf32>
    %swap3A_69 = arith.constant 1 : index
    %swap3A_70 = arith.constant 0 : index
    %swap3A_71 = vector.load %arg4[%swap3A_69, %swap3A_70] : memref<2x2048xf32, #tpu.memory_space<vmem>>, vector<1x2048xf32>
    %swap3A_72 = vector.shape_cast %swap3A_71 : vector<1x2048xf32> to vector<2048xf32>
    %swap3A_73 = vector.shape_cast %squeeze3A_68 : vector<2048xf32> to vector<1x2048xf32>
    tpu.vector_store %arg4[%swap3A_69, %swap3A_70], %swap3A_73 {strides = array<i32>} : memref<2x2048xf32, #tpu.memory_space<vmem>>, vector<1x2048xf32>,
    %broadcast_in_dim3A_74 = vector.shape_cast %reduce_min3A_37 : vector<2048xi32> to vector<2048x1xi32>
    %eq3A_75 = vector.broadcast %broadcast_in_dim3A_74 : vector<2048x1xi32> to vector<2048x64xi32>
    %eq3A_76 = arith.cmpi eq, %iota3A, %eq3A_75 : vector<2048x64xi32>
    %convert_element_type3A = arith.extui %eq3A_76 : vector<2048x64xi1> to vector<2048x64xi32>
    %convert_element_type3A_77 = arith.sitofp %convert_element_type3A : vector<2048x64xi32> to vector<2048x64xf32>
    %broadcast_in_dim3A_78 = vector.shape_cast %reduce_min3A_53 : vector<2048xi32> to vector<2048x1xi32>
    %eq3A_79 = vector.broadcast %broadcast_in_dim3A_78 : vector<2048x1xi32> to vector<2048x64xi32>
    %eq3A_80 = arith.cmpi eq, %iota3A, %eq3A_79 : vector<2048x64xi32>
    %convert_element_type3A_81 = arith.extui %eq3A_80 : vector<2048x64xi1> to vector<2048x64xi32>
    %convert_element_type3A_82 = arith.sitofp %convert_element_type3A_81 : vector<2048x64xi32> to vector<2048x64xf32>
    %iota3A_83 = tpu.iota {dimensions = array<i32: 0>} : vector<2048x2048xi32>
    %iota3A_84 = tpu.iota {dimensions = array<i32: 1>} : vector<2048x2048xi32>
    %gt3A = arith.cmpi sgt, %iota3A_83, %iota3A_84 : vector<2048x2048xi32>
    %convert_element_type3A_85 = arith.extui %gt3A : vector<2048x2048xi1> to vector<2048x2048xi32>
    %convert_element_type3A_86 = arith.sitofp %convert_element_type3A_85 : vector<2048x2048xi32> to vector<2048x2048xf32>
    %dot_general3A_87 = arith.constant dense<0.000000e+00> : vector<2048x64xf32>
    %dot_general3A_88 = tpu.matmul %convert_element_type3A_86, %convert_element_type3A_77, %dot_general3A_87 {dimension_numbers = #tpu.dot_dimension_numbers<[1], [0], [0], [1], [0, 0, 1, 1], [], []>, transpose_lhs_hint = false} : vector<2048x2048xf32>, vector<2048x64xf32>, vector<2048x64xf32> -> vector<2048x64xf32>
    %dot_general3A_89 = arith.constant dense<0.000000e+00> : vector<2048x64xf32>
    %dot_general3A_90 = tpu.matmul %convert_element_type3A_86, %convert_element_type3A_82, %dot_general3A_89 {dimension_numbers = #tpu.dot_dimension_numbers<[1], [0], [0], [1], [0, 0, 1, 1], [], []>, transpose_lhs_hint = false} : vector<2048x2048xf32>, vector<2048x64xf32>, vector<2048x64xf32> -> vector<2048x64xf32>
    %mul3A_91 = arith.mulf %dot_general3A_88, %convert_element_type3A_77 : vector<2048x64xf32>
    %reduce_sum3A_92 = arith.constant dense<0.000000e+00> : vector<2048xf32>
    %reduce_sum3A_93 = vector.multi_reduction <add>, %mul3A_91, %reduce_sum3A_92 [1] : vector<2048x64xf32> to vector<2048xf32>
    %mul3A_94 = arith.mulf %dot_general3A_90, %convert_element_type3A_82 : vector<2048x64xf32>
    %reduce_sum3A_95 = arith.constant dense<0.000000e+00> : vector<2048xf32>
    %reduce_sum3A_96 = vector.multi_reduction <add>, %mul3A_94, %reduce_sum3A_95 [1] : vector<2048x64xf32> to vector<2048xf32>
    %reduce_sum3A_97 = arith.constant dense<0.000000e+00> : vector<64xf32>
    %reduce_sum3A_98 = vector.multi_reduction <add>, %convert_element_type3A_77, %reduce_sum3A_97 [0] : vector<2048x64xf32> to vector<64xf32>
    %broadcast_in_dim3A_99 = vector.shape_cast %reduce_sum3A_98 : vector<64xf32> to vector<1x64xf32>
    %reduce_sum3A_100 = arith.constant dense<0.000000e+00> : vector<64xf32>
    %reduce_sum3A_101 = vector.multi_reduction <add>, %convert_element_type3A_82, %reduce_sum3A_100 [0] : vector<2048x64xf32> to vector<64xf32>
    %broadcast_in_dim3A_102 = vector.shape_cast %reduce_sum3A_101 : vector<64xf32> to vector<1x64xf32>
    %add3A_103 = arith.addf %broadcast_in_dim3A_99, %broadcast_in_dim3A_102 : vector<1x64xf32>
    %convert_element_type3A_104 = arith.fptosi %add3A_103 : vector<1x64xf32> to vector<1x64xi32>
    %add3A_105 = arith.constant 63 : i32
    %add3A_106 = vector.broadcast %add3A_105 : i32 to vector<1x64xi32>
    %add3A_107 = arith.addi %convert_element_type3A_104, %add3A_106 : vector<1x64xi32>
    %jit3A_108 = arith.constant 64 : i32
    %div3A_109 = vector.broadcast %jit3A_108 : i32 to vector<1x64xi32>
    %div3A_110 = arith.divsi %add3A_107, %div3A_109 : vector<1x64xi32>
    %sign3A = arith.constant 0 : i32
    %sign3A_111 = vector.broadcast %sign3A : i32 to vector<1x64xi32>
    %sign3A_112 = arith.cmpi sgt, %add3A_107, %sign3A_111 : vector<1x64xi32>
    %sign3A_113 = arith.extui %sign3A_112 : vector<1x64xi1> to vector<1x64xi32>
    %sign3A_114 = arith.constant 0 : i32
    %sign3A_115 = vector.broadcast %sign3A_114 : i32 to vector<1x64xi32>
    %sign3A_116 = arith.cmpi slt, %add3A_107, %sign3A_115 : vector<1x64xi32>
    %sign3A_117 = arith.extui %sign3A_116 : vector<1x64xi1> to vector<1x64xi32>
    %sign3A_118 = arith.subi %sign3A_113, %sign3A_117 : vector<1x64xi32>
    %sign3A_119 = arith.constant 0 : i32
    %sign3A_120 = arith.cmpi sgt, %jit3A_108, %sign3A_119 : i32
    %sign3A_121 = arith.extui %sign3A_120 : i1 to i32
    %sign3A_122 = arith.constant 0 : i32
    %sign3A_123 = arith.cmpi slt, %jit3A_108, %sign3A_122 : i32
    %sign3A_124 = arith.extui %sign3A_123 : i1 to i32
    %sign3A_125 = arith.subi %sign3A_121, %sign3A_124 : i32
    %ne3A = vector.broadcast %sign3A_125 : i32 to vector<1x64xi32>
    %ne3A_126 = arith.cmpi ne, %sign3A_118, %ne3A : vector<1x64xi32>
    %rem3A = vector.broadcast %jit3A_108 : i32 to vector<1x64xi32>
    %rem3A_127 = arith.remsi %add3A_107, %rem3A : vector<1x64xi32>
    %ne3A_128 = arith.constant 0 : i32
    %ne3A_129 = vector.broadcast %ne3A_128 : i32 to vector<1x64xi32>
    %ne3A_130 = arith.cmpi ne, %rem3A_127, %ne3A_129 : vector<1x64xi32>
    %and3A = arith.andi %ne3A_126, %ne3A_130 : vector<1x64xi1>
    %sub3A_131 = arith.constant 1 : i32
    %sub3A_132 = vector.broadcast %sub3A_131 : i32 to vector<1x64xi32>
    %sub3A_133 = arith.subi %div3A_110, %sub3A_132 : vector<1x64xi32>
    %select_n3A_134 = arith.select %and3A, %sub3A_133, %div3A_110 : vector<1x64xi1>, vector<1x64xi32>
    %mul3A_135 = arith.constant 64 : i32
    %mul3A_136 = vector.broadcast %mul3A_135 : i32 to vector<1x64xi32>
    %mul3A_137 = arith.muli %select_n3A_134, %mul3A_136 : vector<1x64xi32>
    %iota3A_138 = tpu.iota {dimensions = array<i32: 0>} : vector<64x64xi32>
    %iota3A_139 = tpu.iota {dimensions = array<i32: 1>} : vector<64x64xi32>
    %lt3A = arith.cmpi slt, %iota3A_138, %iota3A_139 : vector<64x64xi32>
    %convert_element_type3A_140 = arith.extui %lt3A : vector<64x64xi1> to vector<64x64xi32>
    %convert_element_type3A_141 = arith.sitofp %convert_element_type3A_140 : vector<64x64xi32> to vector<64x64xf32>
    %convert_element_type3A_142 = arith.sitofp %mul3A_137 : vector<1x64xi32> to vector<1x64xf32>
    %dot_general3A_143 = arith.constant dense<0.000000e+00> : vector<1x64xf32>
    %dot_general3A_144 = tpu.matmul %convert_element_type3A_142, %convert_element_type3A_141, %dot_general3A_143 {dimension_numbers = #tpu.dot_dimension_numbers<[1], [0], [0], [1], [0, 0, 1, 1], [], []>, transpose_lhs_hint = false} : vector<1x64xf32>, vector<64x64xf32>, vector<1x64xf32> -> vector<1x64xf32>
    %mul3A_145 = vector.broadcast %dot_general3A_144 : vector<1x64xf32> to vector<2048x64xf32>
    %mul3A_146 = arith.mulf %mul3A_145, %convert_element_type3A_77 : vector<2048x64xf32>
    %reduce_sum3A_147 = arith.constant dense<0.000000e+00> : vector<2048xf32>
    %reduce_sum3A_148 = vector.multi_reduction <add>, %mul3A_146, %reduce_sum3A_147 [1] : vector<2048x64xf32> to vector<2048xf32>
    %mul3A_149 = vector.broadcast %dot_general3A_144 : vector<1x64xf32> to vector<2048x64xf32>
    %mul3A_150 = arith.mulf %mul3A_149, %convert_element_type3A_82 : vector<2048x64xf32>
    %reduce_sum3A_151 = arith.constant dense<0.000000e+00> : vector<2048xf32>
    %reduce_sum3A_152 = vector.multi_reduction <add>, %mul3A_150, %reduce_sum3A_151 [1] : vector<2048x64xf32> to vector<2048xf32>
    %mul3A_153 = vector.broadcast %broadcast_in_dim3A_99 : vector<1x64xf32> to vector<2048x64xf32>
    %mul3A_154 = arith.mulf %mul3A_153, %convert_element_type3A_82 : vector<2048x64xf32>
    %reduce_sum3A_155 = arith.constant dense<0.000000e+00> : vector<2048xf32>
    %reduce_sum3A_156 = vector.multi_reduction <add>, %mul3A_154, %reduce_sum3A_155 [1] : vector<2048x64xf32> to vector<2048xf32>
    %add3A_157 = arith.addf %reduce_sum3A_148, %reduce_sum3A_93 : vector<2048xf32>
    %convert_element_type3A_158 = arith.fptosi %add3A_157 : vector<2048xf32> to vector<2048xi32>
    %swap3A_159 = arith.constant 0 : index
    %swap3A_160 = arith.constant 0 : index
    %swap3A_161 = vector.load %arg3[%swap3A_159, %swap3A_160] : memref<2x2048xi32, #tpu.memory_space<vmem>>, vector<1x2048xi32>
    %swap3A_162 = vector.shape_cast %swap3A_161 : vector<1x2048xi32> to vector<2048xi32>
    %swap3A_163 = vector.shape_cast %convert_element_type3A_158 : vector<2048xi32> to vector<1x2048xi32>
    tpu.vector_store %arg3[%swap3A_159, %swap3A_160], %swap3A_163 {strides = array<i32>} : memref<2x2048xi32, #tpu.memory_space<vmem>>, vector<1x2048xi32>,
    %add3A_164 = arith.addf %reduce_sum3A_152, %reduce_sum3A_156 : vector<2048xf32>
    %add3A_165 = arith.addf %add3A_164, %reduce_sum3A_96 : vector<2048xf32>
    %convert_element_type3A_166 = arith.fptosi %add3A_165 : vector<2048xf32> to vector<2048xi32>
    %swap3A_167 = arith.constant 1 : index
    %swap3A_168 = arith.constant 0 : index
    %swap3A_169 = vector.load %arg3[%swap3A_167, %swap3A_168] : memref<2x2048xi32, #tpu.memory_space<vmem>>, vector<1x2048xi32>
    %swap3A_170 = vector.shape_cast %swap3A_169 : vector<1x2048xi32> to vector<2048xi32>
    %swap3A_171 = vector.shape_cast %convert_element_type3A_166 : vector<2048xi32> to vector<1x2048xi32>
    tpu.vector_store %arg3[%swap3A_167, %swap3A_168], %swap3A_171 {strides = array<i32>} : memref<2x2048xi32, #tpu.memory_space<vmem>>, vector<1x2048xi32>,
    %iota3A_172 = tpu.iota {dimensions = array<i32: 0>} : vector<128x64xi32>
    %mul3A_173 = arith.constant 64 : i32
    %mul3A_174 = vector.broadcast %mul3A_173 : i32 to vector<128x64xi32>
    %mul3A_175 = arith.muli %iota3A_172, %mul3A_174 : vector<128x64xi32>
    %convert_element_type3A_176 = arith.sitofp %mul3A_175 : vector<128x64xi32> to vector<128x64xf32>
    %le3A = vector.broadcast %dot_general3A_144 : vector<1x64xf32> to vector<128x64xf32>
    %le3A_177 = arith.cmpf ole, %le3A, %convert_element_type3A_176 : vector<128x64xf32>
    %convert_element_type3A_178 = arith.extui %le3A_177 : vector<128x64xi1> to vector<128x64xi32>
    %reduce_sum3A_179 = arith.constant dense<0> : vector<128xi32>
    %reduce_sum3A_180 = vector.multi_reduction <add>, %convert_element_type3A_178, %reduce_sum3A_179 [1] : vector<128x64xi32> to vector<128xi32>
    %sub3A_181 = arith.constant 1 : i32
    %sub3A_182 = vector.broadcast %sub3A_181 : i32 to vector<128xi32>
    %sub3A_183 = arith.subi %reduce_sum3A_180, %sub3A_182 : vector<128xi32>
    %sub3A_184 = arith.constant 6.400000e+01 : f32
    %sub3A_185 = vector.broadcast %sub3A_184 : f32 to vector<128x64xf32>
    %sub3A_186 = arith.subf %convert_element_type3A_176, %sub3A_185 : vector<128x64xf32>
    %gt3A_187 = vector.broadcast %dot_general3A_144 : vector<1x64xf32> to vector<128x64xf32>
    %gt3A_188 = arith.cmpf ogt, %gt3A_187, %sub3A_186 : vector<128x64xf32>
    %le3A_189 = vector.broadcast %dot_general3A_144 : vector<1x64xf32> to vector<128x64xf32>
    %le3A_190 = arith.cmpf ole, %le3A_189, %convert_element_type3A_176 : vector<128x64xf32>
    %and3A_191 = arith.andi %gt3A_188, %le3A_190 : vector<128x64xi1>
    %convert_element_type3A_192 = arith.extui %and3A_191 : vector<128x64xi1> to vector<128x64xi32>
    %convert_element_type3A_193 = arith.sitofp %convert_element_type3A_192 : vector<128x64xi32> to vector<128x64xf32>
    %reduce_sum3A_194 = arith.constant dense<0.000000e+00> : vector<128xf32>
    %reduce_sum3A_195 = vector.multi_reduction <add>, %convert_element_type3A_193, %reduce_sum3A_194 [1] : vector<128x64xf32> to vector<128xf32>
    %iota3A_196 = tpu.iota {dimensions = array<i32: 0>} : vector<128x1xi32>
    %gt3A_197 = arith.constant 0 : i32
    %gt3A_198 = vector.broadcast %gt3A_197 : i32 to vector<128x1xi32>
    %gt3A_199 = arith.cmpi sgt, %iota3A_196, %gt3A_198 : vector<128x1xi32>
    %squeeze3A_200 = vector.shape_cast %gt3A_199 : vector<128x1xi1> to vector<128xi1>
    %ge3A = arith.constant 1.000000e+00 : f32
    %ge3A_201 = vector.broadcast %ge3A : f32 to vector<128xf32>
    %ge3A_202 = arith.cmpf oge, %reduce_sum3A_195, %ge3A_201 : vector<128xf32>
    %and3A_203 = arith.andi %squeeze3A_200, %ge3A_202 : vector<128xi1>
    %jit3A_204 = arith.constant 1.000000e+00 : f32
    %jit3A_205 = arith.constant 0.000000e+00 : f32
    %broadcast_in_dim3A_206 = vector.broadcast %jit3A_204 : f32 to vector<128xf32>
    %broadcast_in_dim3A_207 = vector.broadcast %jit3A_205 : f32 to vector<128xf32>
    %select_n3A_208 = arith.select %and3A_203, %broadcast_in_dim3A_206, %broadcast_in_dim3A_207 : vector<128xi1>, vector<128xf32>
    %reshape3A = vector.shape_cast %select_n3A_208 : vector<128xf32> to vector<1x128xf32>
    %iota3A_209 = tpu.iota {dimensions = array<i32: 0>} : vector<128x128xi32>
    %iota3A_210 = tpu.iota {dimensions = array<i32: 1>} : vector<128x128xi32>
    %le3A_211 = arith.cmpi sle, %iota3A_209, %iota3A_210 : vector<128x128xi32>
    %convert_element_type3A_212 = arith.extui %le3A_211 : vector<128x128xi1> to vector<128x128xi32>
    %convert_element_type3A_213 = arith.sitofp %convert_element_type3A_212 : vector<128x128xi32> to vector<128x128xf32>
    %dot_general3A_214 = arith.constant dense<0.000000e+00> : vector<1x128xf32>
    %dot_general3A_215 = tpu.matmul %reshape3A, %convert_element_type3A_213, %dot_general3A_214 {dimension_numbers = #tpu.dot_dimension_numbers<[1], [0], [0], [1], [0, 0, 1, 1], [], []>, transpose_lhs_hint = false} : vector<1x128xf32>, vector<128x128xf32>, vector<1x128xf32> -> vector<1x128xf32>
    %convert_element_type3A_216 = arith.fptosi %dot_general3A_215 : vector<1x128xf32> to vector<1x128xi32>
    %squeeze3A_217 = vector.shape_cast %convert_element_type3A_216 : vector<1x128xi32> to vector<128xi32>
    %swap3A_218 = arith.constant 0 : index
    %swap3A_219 = arith.constant 0 : index
    %swap3A_220 = vector.load %arg5[%swap3A_218, %swap3A_219] : memref<1x128xi32, #tpu.memory_space<vmem>>, vector<1x128xi32>
    %swap3A_221 = vector.shape_cast %swap3A_220 : vector<1x128xi32> to vector<128xi32>
    %swap3A_222 = vector.shape_cast %squeeze3A_217 : vector<128xi32> to vector<1x128xi32>
    tpu.vector_store %arg5[%swap3A_218, %swap3A_219], %swap3A_222 {strides = array<i32>} : memref<1x128xi32, #tpu.memory_space<vmem>>, vector<1x128xi32>,
    %squeeze3A_223 = vector.shape_cast %convert_element_type3A_216 : vector<1x128xi32> to vector<128xi32>
    %broadcast_in_dim3A_224 = vector.shape_cast %squeeze3A_223 : vector<128xi32> to vector<128x1xi32>
    %iota3A_225 = tpu.iota {dimensions = array<i32: 1>} : vector<128x128xi32>
    %eq3A_226 = vector.broadcast %broadcast_in_dim3A_224 : vector<128x1xi32> to vector<128x128xi32>
    %eq3A_227 = arith.cmpi eq, %eq3A_226, %iota3A_225 : vector<128x128xi32>
    %broadcast_in_dim3A_228 = vector.shape_cast %sub3A_183 : vector<128xi32> to vector<128x1xi32>
    %jit3A_229 = arith.constant -1 : i32
    %broadcast_in_dim3A_230 = vector.shape_cast %broadcast_in_dim3A_228 : vector<128x1xi32> to vector<128x1xi32>
    %broadcast_in_dim3A_231 = vector.broadcast %broadcast_in_dim3A_230 : vector<128x1xi32> to vector<128x128xi32>
    %broadcast_in_dim3A_232 = vector.broadcast %jit3A_229 : i32 to vector<128x128xi32>
    %select_n3A_233 = arith.select %eq3A_227, %broadcast_in_dim3A_231, %broadcast_in_dim3A_232 : vector<128x128xi1>, vector<128x128xi32>
    %reduce_max3A_234 = arith.constant dense<-2147483648> : vector<128xi32>
    %reduce_max3A_235 = vector.multi_reduction <maxsi>, %select_n3A_233, %reduce_max3A_234 [0] : vector<128x128xi32> to vector<128xi32>
    %swap3A_236 = arith.constant 0 : index
    %swap3A_237 = arith.constant 0 : index
    %swap3A_238 = vector.load %arg6[%swap3A_236, %swap3A_237] : memref<1x128xi32, #tpu.memory_space<vmem>>, vector<1x128xi32>
    %swap3A_239 = vector.shape_cast %swap3A_238 : vector<1x128xi32> to vector<128xi32>
    %swap3A_240 = vector.shape_cast %reduce_max3A_235 : vector<128xi32> to vector<1x128xi32>
    tpu.vector_store %arg6[%swap3A_236, %swap3A_237], %swap3A_240 {strides = array<i32>} : memref<1x128xi32, #tpu.memory_space<vmem>>, vector<1x128xi32>,
    return
  }
}

module attributes {stable_mosaic.version = 14 : i64} {
  func.func @_add_body(%arg0: i32, %arg1: memref<2x256x768xf32, #tpu.memory_space<vmem>>, %arg2: memref<2x1x256xf32, #tpu.memory_space<vmem>>, %arg3: memref<256x768xf32, #tpu.memory_space<vmem>>) attributes {dimension_semantics = [#tpu.dimension_semantics<arbitrary>], iteration_bounds = array<i64: 8>, scalar_prefetch = 0 : i64, scratch_operands = 0 : i64, tpu.core_type = #tpu.core_type<tc>, window_params = [{transform_indices = @transform_0, window_bounds = array<i64: 2, 256, 768>}, {transform_indices = @transform_1, window_bounds = array<i64: 2, 1, 256>}, {transform_indices = @transform_2, window_bounds = array<i64: 256, 768>}]} {
    %get3A = arith.constant 0 : index
    %get3A_0 = arith.constant 0 : index
    %get3A_1 = arith.constant 0 : index
    %get3A_2 = vector.load %arg1[%get3A, %get3A_0, %get3A_1] : memref<2x256x768xf32, #tpu.memory_space<vmem>>, vector<1x256x768xf32>
    %get3A_3 = vector.shape_cast %get3A_2 : vector<1x256x768xf32> to vector<256x768xf32>
    %get3A_4 = arith.constant 0 : index
    %get3A_5 = arith.constant 0 : index
    %get3A_6 = arith.constant 0 : index
    %get3A_7 = vector.load %arg2[%get3A_4, %get3A_5, %get3A_6] : memref<2x1x256xf32, #tpu.memory_space<vmem>>, vector<1x1x256xf32>
    %get3A_8 = vector.shape_cast %get3A_7 : vector<1x1x256xf32> to vector<256xf32>
    %broadcast_in_dim3A = vector.shape_cast %get3A_8 : vector<256xf32> to vector<256x1xf32>
    %mul3A = vector.broadcast %broadcast_in_dim3A : vector<256x1xf32> to vector<256x768xf32>
    %mul3A_9 = arith.mulf %get3A_3, %mul3A : vector<256x768xf32>
    %get3A_10 = arith.constant 1 : index
    %get3A_11 = arith.constant 0 : index
    %get3A_12 = arith.constant 0 : index
    %get3A_13 = vector.load %arg1[%get3A_10, %get3A_11, %get3A_12] : memref<2x256x768xf32, #tpu.memory_space<vmem>>, vector<1x256x768xf32>
    %get3A_14 = vector.shape_cast %get3A_13 : vector<1x256x768xf32> to vector<256x768xf32>
    %get3A_15 = arith.constant 1 : index
    %get3A_16 = arith.constant 0 : index
    %get3A_17 = arith.constant 0 : index
    %get3A_18 = vector.load %arg2[%get3A_15, %get3A_16, %get3A_17] : memref<2x1x256xf32, #tpu.memory_space<vmem>>, vector<1x1x256xf32>
    %get3A_19 = vector.shape_cast %get3A_18 : vector<1x1x256xf32> to vector<256xf32>
    %broadcast_in_dim3A_20 = vector.shape_cast %get3A_19 : vector<256xf32> to vector<256x1xf32>
    %mul3A_21 = vector.broadcast %broadcast_in_dim3A_20 : vector<256x1xf32> to vector<256x768xf32>
    %mul3A_22 = arith.mulf %get3A_14, %mul3A_21 : vector<256x768xf32>
    %add3A = arith.addf %mul3A_9, %mul3A_22 : vector<256x768xf32>
    %swap3A = arith.constant 0 : index
    %swap3A_23 = arith.constant 0 : index
    %swap3A_24 = vector.load %arg3[%swap3A, %swap3A_23] : memref<256x768xf32, #tpu.memory_space<vmem>>, vector<256x768xf32>
    tpu.vector_store %arg3[%swap3A, %swap3A_23], %add3A {strides = array<i32>} : memref<256x768xf32, #tpu.memory_space<vmem>>, vector<256x768xf32>,
    return
  }
  func.func @transform_0(%arg0: i32) -> (i32, i32, i32) {
    %c0_i32 = arith.constant 0 : i32
    %c0_i32_0 = arith.constant 0 : i32
    %c0_i32_1 = arith.constant 0 : i32
    return %c0_i32, %arg0, %c0_i32_0 : i32, i32, i32
  }
  func.func @transform_1(%arg0: i32) -> (i32, i32, i32) {
    %c0_i32 = arith.constant 0 : i32
    %c0_i32_0 = arith.constant 0 : i32
    %c0_i32_1 = arith.constant 0 : i32
    return %c0_i32, %c0_i32_0, %arg0 : i32, i32, i32
  }
  func.func @transform_2(%arg0: i32) -> (i32, i32) {
    %c0_i32 = arith.constant 0 : i32
    %c0_i32_0 = arith.constant 0 : i32
    return %arg0, %c0_i32 : i32, i32
  }
}

module attributes {stable_mosaic.version = 14 : i64} {
  func.func @_expert_body(%arg0: i32, %arg1: memref<128xi32, #tpu.memory_space<smem>>, %arg2: memref<128xi32, #tpu.memory_space<smem>>, %arg3: memref<64x768xf32, #tpu.memory_space<vmem>>, %arg4: memref<64x768x768xf32, #tpu.memory_space<any>>, %arg5: memref<1x1x768xf32, #tpu.memory_space<vmem>>, %arg6: memref<64x768xf32, #tpu.memory_space<vmem>>, %arg7: memref<3x768x768xf32, #tpu.memory_space<vmem>>, %arg8: memref<3x!tpu.dma_semaphore, #tpu.memory_space<semaphore_mem>>) attributes {dimension_semantics = [#tpu.dimension_semantics<arbitrary>], iteration_bounds = array<i64: 128>, scalar_prefetch = 2 : i64, scratch_operands = 2 : i64, tpu.core_type = #tpu.core_type<tc>, window_params = [{transform_indices = @transform_0, window_bounds = array<i64: 64, 768>}, {}, {transform_indices = @transform_2, window_bounds = array<i64: 1, 1, 768>}, {transform_indices = @transform_3, window_bounds = array<i64: 64, 768>}]} {
    %get3A = arith.index_cast %arg0 : i32 to index
    %get3A_0 = memref.load %arg1[%get3A] : memref<128xi32, #tpu.memory_space<smem>>
    %get3A_1 = arith.constant 127 : index
    %get3A_2 = memref.load %arg1[%get3A_1] : memref<128xi32, #tpu.memory_space<smem>>
    %eq3A = arith.constant 0 : i32
    %eq3A_3 = arith.cmpi eq, %arg0, %eq3A : i32
    %sub3A = arith.constant 1 : i32
    %sub3A_4 = arith.subi %arg0, %sub3A : i32
    %max3A = arith.constant 0 : i32
    %max3A_5 = arith.maxsi %sub3A_4, %max3A : i32
    %get3A_6 = arith.index_cast %max3A_5 : i32 to index
    %get3A_7 = memref.load %arg1[%get3A_6] : memref<128xi32, #tpu.memory_space<smem>>
    %ne3A = arith.cmpi ne, %get3A_0, %get3A_7 : i32
    %or3A = arith.ori %eq3A_3, %ne3A : i1
    %eq3A_8 = arith.constant 0 : i32
    %eq3A_9 = arith.cmpi eq, %arg0, %eq3A_8 : i32
    %convert_element_type3A = arith.extui %eq3A_9 : i1 to i32
    %cond3A = arith.constant 0 : i32
    %cond3A_10 = arith.cmpi ne, %convert_element_type3A, %cond3A : i32
    scf.if %cond3A_10 {
      %get3A_65 = arith.constant 0 : index
      %get3A_66 = memref.load %arg2[%get3A_65] : memref<128xi32, #tpu.memory_space<smem>>
      %dma_start3A = arith.constant 0 : i32
      %dma_start3A_67 = arith.constant 0 : i32
      %dma_start3A_68 = tpu.memref_slice %arg8[%dma_start3A_67] : memref<3x!tpu.dma_semaphore, #tpu.memory_space<semaphore_mem>> -> memref<1x!tpu.dma_semaphore, #tpu.memory_space<semaphore_mem>>
      %dma_start3A_69 = tpu.memref_squeeze %dma_start3A_68 : memref<1x!tpu.dma_semaphore, #tpu.memory_space<semaphore_mem>> -> memref<!tpu.dma_semaphore, #tpu.memory_space<semaphore_mem>>
      %dma_start3A_70 = arith.constant 0 : i32
      %dma_start3A_71 = arith.constant 0 : i32
      %dma_start3A_72 = tpu.memref_slice %arg7[%dma_start3A, %dma_start3A_70, %dma_start3A_71] : memref<3x768x768xf32, #tpu.memory_space<vmem>> -> memref<1x768x768xf32, #tpu.memory_space<vmem>>
      %dma_start3A_73 = tpu.memref_squeeze %dma_start3A_72 : memref<1x768x768xf32, #tpu.memory_space<vmem>> -> memref<768x768xf32, #tpu.memory_space<vmem>>
      %dma_start3A_74 = arith.constant 0 : i32
      %dma_start3A_75 = arith.constant 0 : i32
      %dma_start3A_76 = tpu.memref_slice %arg4[%get3A_66, %dma_start3A_74, %dma_start3A_75] : memref<64x768x768xf32, #tpu.memory_space<any>> -> memref<1x768x768xf32, #tpu.memory_space<any>>
      %dma_start3A_77 = tpu.memref_squeeze %dma_start3A_76 : memref<1x768x768xf32, #tpu.memory_space<any>> -> memref<768x768xf32, #tpu.memory_space<any>>
      tpu.enqueue_dma source(%dma_start3A_77 : memref<768x768xf32, #tpu.memory_space<any>>) target(%dma_start3A_73 : memref<768x768xf32, #tpu.memory_space<vmem>>) target_semaphore(%dma_start3A_69 : memref<!tpu.dma_semaphore, #tpu.memory_space<semaphore_mem>>)
    } else {
    }
    %eq3A_11 = arith.constant 0 : i32
    %eq3A_12 = arith.cmpi eq, %arg0, %eq3A_11 : i32
    %ge3A = arith.constant 1 : i32
    %ge3A_13 = arith.cmpi sge, %get3A_2, %ge3A : i32
    %and3A = arith.andi %eq3A_12, %ge3A_13 : i1
    %convert_element_type3A_14 = arith.extui %and3A : i1 to i32
    %cond3A_15 = arith.constant 0 : i32
    %cond3A_16 = arith.cmpi ne, %convert_element_type3A_14, %cond3A_15 : i32
    scf.if %cond3A_16 {
      %get3A_65 = arith.constant 1 : index
      %get3A_66 = memref.load %arg2[%get3A_65] : memref<128xi32, #tpu.memory_space<smem>>
      %dma_start3A = arith.constant 1 : i32
      %dma_start3A_67 = arith.constant 1 : i32
      %dma_start3A_68 = tpu.memref_slice %arg8[%dma_start3A_67] : memref<3x!tpu.dma_semaphore, #tpu.memory_space<semaphore_mem>> -> memref<1x!tpu.dma_semaphore, #tpu.memory_space<semaphore_mem>>
      %dma_start3A_69 = tpu.memref_squeeze %dma_start3A_68 : memref<1x!tpu.dma_semaphore, #tpu.memory_space<semaphore_mem>> -> memref<!tpu.dma_semaphore, #tpu.memory_space<semaphore_mem>>
      %dma_start3A_70 = arith.constant 0 : i32
      %dma_start3A_71 = arith.constant 0 : i32
      %dma_start3A_72 = tpu.memref_slice %arg7[%dma_start3A, %dma_start3A_70, %dma_start3A_71] : memref<3x768x768xf32, #tpu.memory_space<vmem>> -> memref<1x768x768xf32, #tpu.memory_space<vmem>>
      %dma_start3A_73 = tpu.memref_squeeze %dma_start3A_72 : memref<1x768x768xf32, #tpu.memory_space<vmem>> -> memref<768x768xf32, #tpu.memory_space<vmem>>
      %dma_start3A_74 = arith.constant 0 : i32
      %dma_start3A_75 = arith.constant 0 : i32
      %dma_start3A_76 = tpu.memref_slice %arg4[%get3A_66, %dma_start3A_74, %dma_start3A_75] : memref<64x768x768xf32, #tpu.memory_space<any>> -> memref<1x768x768xf32, #tpu.memory_space<any>>
      %dma_start3A_77 = tpu.memref_squeeze %dma_start3A_76 : memref<1x768x768xf32, #tpu.memory_space<any>> -> memref<768x768xf32, #tpu.memory_space<any>>
      tpu.enqueue_dma source(%dma_start3A_77 : memref<768x768xf32, #tpu.memory_space<any>>) target(%dma_start3A_73 : memref<768x768xf32, #tpu.memory_space<vmem>>) target_semaphore(%dma_start3A_69 : memref<!tpu.dma_semaphore, #tpu.memory_space<semaphore_mem>>)
    } else {
    }
    %eq3A_17 = arith.constant 0 : i32
    %eq3A_18 = arith.cmpi eq, %arg0, %eq3A_17 : i32
    %ge3A_19 = arith.constant 2 : i32
    %ge3A_20 = arith.cmpi sge, %get3A_2, %ge3A_19 : i32
    %and3A_21 = arith.andi %eq3A_18, %ge3A_20 : i1
    %convert_element_type3A_22 = arith.extui %and3A_21 : i1 to i32
    %cond3A_23 = arith.constant 0 : i32
    %cond3A_24 = arith.cmpi ne, %convert_element_type3A_22, %cond3A_23 : i32
    scf.if %cond3A_24 {
      %get3A_65 = arith.constant 2 : index
      %get3A_66 = memref.load %arg2[%get3A_65] : memref<128xi32, #tpu.memory_space<smem>>
      %dma_start3A = arith.constant 2 : i32
      %dma_start3A_67 = arith.constant 2 : i32
      %dma_start3A_68 = tpu.memref_slice %arg8[%dma_start3A_67] : memref<3x!tpu.dma_semaphore, #tpu.memory_space<semaphore_mem>> -> memref<1x!tpu.dma_semaphore, #tpu.memory_space<semaphore_mem>>
      %dma_start3A_69 = tpu.memref_squeeze %dma_start3A_68 : memref<1x!tpu.dma_semaphore, #tpu.memory_space<semaphore_mem>> -> memref<!tpu.dma_semaphore, #tpu.memory_space<semaphore_mem>>
      %dma_start3A_70 = arith.constant 0 : i32
      %dma_start3A_71 = arith.constant 0 : i32
      %dma_start3A_72 = tpu.memref_slice %arg7[%dma_start3A, %dma_start3A_70, %dma_start3A_71] : memref<3x768x768xf32, #tpu.memory_space<vmem>> -> memref<1x768x768xf32, #tpu.memory_space<vmem>>
      %dma_start3A_73 = tpu.memref_squeeze %dma_start3A_72 : memref<1x768x768xf32, #tpu.memory_space<vmem>> -> memref<768x768xf32, #tpu.memory_space<vmem>>
      %dma_start3A_74 = arith.constant 0 : i32
      %dma_start3A_75 = arith.constant 0 : i32
      %dma_start3A_76 = tpu.memref_slice %arg4[%get3A_66, %dma_start3A_74, %dma_start3A_75] : memref<64x768x768xf32, #tpu.memory_space<any>> -> memref<1x768x768xf32, #tpu.memory_space<any>>
      %dma_start3A_77 = tpu.memref_squeeze %dma_start3A_76 : memref<1x768x768xf32, #tpu.memory_space<any>> -> memref<768x768xf32, #tpu.memory_space<any>>
      tpu.enqueue_dma source(%dma_start3A_77 : memref<768x768xf32, #tpu.memory_space<any>>) target(%dma_start3A_73 : memref<768x768xf32, #tpu.memory_space<vmem>>) target_semaphore(%dma_start3A_69 : memref<!tpu.dma_semaphore, #tpu.memory_space<semaphore_mem>>)
    } else {
    }
    %gt3A = arith.constant 0 : i32
    %gt3A_25 = arith.cmpi sgt, %arg0, %gt3A : i32
    %add3A = arith.constant 2 : i32
    %add3A_26 = arith.addi %get3A_0, %add3A : i32
    %le3A = arith.cmpi sle, %add3A_26, %get3A_2 : i32
    %and3A_27 = arith.andi %gt3A_25, %le3A : i1
    %and3A_28 = arith.andi %or3A, %and3A_27 : i1
    %convert_element_type3A_29 = arith.extui %and3A_28 : i1 to i32
    %cond3A_30 = arith.constant 0 : i32
    %cond3A_31 = arith.cmpi ne, %convert_element_type3A_29, %cond3A_30 : i32
    scf.if %cond3A_31 {
      %add3A_65 = arith.constant 2 : i32
      %add3A_66 = arith.addi %get3A_0, %add3A_65 : i32
      %get3A_67 = arith.index_cast %add3A_66 : i32 to index
      %get3A_68 = memref.load %arg2[%get3A_67] : memref<128xi32, #tpu.memory_space<smem>>
      %jit3A_69 = arith.constant 3 : i32
      %eq3A_70 = arith.constant 0 : i32
      %eq3A_71 = arith.cmpi eq, %jit3A_69, %eq3A_70 : i32
      %jit3A_72 = arith.constant 1 : i32
      %select_n3A_73 = arith.select %eq3A_71, %jit3A_72, %jit3A_69 : i32
      %rem3A_74 = arith.remsi %add3A_66, %select_n3A_73 : i32
      %ne3A_75 = arith.constant 0 : i32
      %ne3A_76 = arith.cmpi ne, %rem3A_74, %ne3A_75 : i32
      %lt3A_77 = arith.constant 0 : i32
      %lt3A_78 = arith.cmpi slt, %rem3A_74, %lt3A_77 : i32
      %lt3A_79 = arith.constant 0 : i32
      %lt3A_80 = arith.cmpi slt, %select_n3A_73, %lt3A_79 : i32
      %ne3A_81 = arith.xori %lt3A_78, %lt3A_80 : i1
      %and3A_82 = arith.andi %ne3A_81, %ne3A_76 : i1
      %add3A_83 = arith.addi %rem3A_74, %select_n3A_73 : i32
      %select_n3A_84 = arith.select %and3A_82, %add3A_83, %rem3A_74 : i32
      %jit3A_85 = arith.constant 3 : i32
      %eq3A_86 = arith.constant 0 : i32
      %eq3A_87 = arith.cmpi eq, %jit3A_85, %eq3A_86 : i32
      %jit3A_88 = arith.constant 1 : i32
      %select_n3A_89 = arith.select %eq3A_87, %jit3A_88, %jit3A_85 : i32
      %rem3A_90 = arith.remsi %add3A_66, %select_n3A_89 : i32
      %ne3A_91 = arith.constant 0 : i32
      %ne3A_92 = arith.cmpi ne, %rem3A_90, %ne3A_91 : i32
      %lt3A_93 = arith.constant 0 : i32
      %lt3A_94 = arith.cmpi slt, %rem3A_90, %lt3A_93 : i32
      %lt3A_95 = arith.constant 0 : i32
      %lt3A_96 = arith.cmpi slt, %select_n3A_89, %lt3A_95 : i32
      %ne3A_97 = arith.xori %lt3A_94, %lt3A_96 : i1
      %and3A_98 = arith.andi %ne3A_97, %ne3A_92 : i1
      %add3A_99 = arith.addi %rem3A_90, %select_n3A_89 : i32
      %select_n3A_100 = arith.select %and3A_98, %add3A_99, %rem3A_90 : i32
      %dma_start3A = tpu.memref_slice %arg8[%select_n3A_100] : memref<3x!tpu.dma_semaphore, #tpu.memory_space<semaphore_mem>> -> memref<1x!tpu.dma_semaphore, #tpu.memory_space<semaphore_mem>>
      %dma_start3A_101 = tpu.memref_squeeze %dma_start3A : memref<1x!tpu.dma_semaphore, #tpu.memory_space<semaphore_mem>> -> memref<!tpu.dma_semaphore, #tpu.memory_space<semaphore_mem>>
      %dma_start3A_102 = arith.constant 0 : i32
      %dma_start3A_103 = arith.constant 0 : i32
      %dma_start3A_104 = tpu.memref_slice %arg7[%select_n3A_84, %dma_start3A_102, %dma_start3A_103] : memref<3x768x768xf32, #tpu.memory_space<vmem>> -> memref<1x768x768xf32, #tpu.memory_space<vmem>>
      %dma_start3A_105 = tpu.memref_squeeze %dma_start3A_104 : memref<1x768x768xf32, #tpu.memory_space<vmem>> -> memref<768x768xf32, #tpu.memory_space<vmem>>
      %dma_start3A_106 = arith.constant 0 : i32
      %dma_start3A_107 = arith.constant 0 : i32
      %dma_start3A_108 = tpu.memref_slice %arg4[%get3A_68, %dma_start3A_106, %dma_start3A_107] : memref<64x768x768xf32, #tpu.memory_space<any>> -> memref<1x768x768xf32, #tpu.memory_space<any>>
      %dma_start3A_109 = tpu.memref_squeeze %dma_start3A_108 : memref<1x768x768xf32, #tpu.memory_space<any>> -> memref<768x768xf32, #tpu.memory_space<any>>
      tpu.enqueue_dma source(%dma_start3A_109 : memref<768x768xf32, #tpu.memory_space<any>>) target(%dma_start3A_105 : memref<768x768xf32, #tpu.memory_space<vmem>>) target_semaphore(%dma_start3A_101 : memref<!tpu.dma_semaphore, #tpu.memory_space<semaphore_mem>>)
    } else {
    }
    %convert_element_type3A_32 = arith.extui %or3A : i1 to i32
    %cond3A_33 = arith.constant 0 : i32
    %cond3A_34 = arith.cmpi ne, %convert_element_type3A_32, %cond3A_33 : i32
    scf.if %cond3A_34 {
      %get3A_65 = arith.index_cast %get3A_0 : i32 to index
      %get3A_66 = memref.load %arg2[%get3A_65] : memref<128xi32, #tpu.memory_space<smem>>
      %jit3A_67 = arith.constant 3 : i32
      %eq3A_68 = arith.constant 0 : i32
      %eq3A_69 = arith.cmpi eq, %jit3A_67, %eq3A_68 : i32
      %jit3A_70 = arith.constant 1 : i32
      %select_n3A_71 = arith.select %eq3A_69, %jit3A_70, %jit3A_67 : i32
      %rem3A_72 = arith.remsi %get3A_0, %select_n3A_71 : i32
      %ne3A_73 = arith.constant 0 : i32
      %ne3A_74 = arith.cmpi ne, %rem3A_72, %ne3A_73 : i32
      %lt3A_75 = arith.constant 0 : i32
      %lt3A_76 = arith.cmpi slt, %rem3A_72, %lt3A_75 : i32
      %lt3A_77 = arith.constant 0 : i32
      %lt3A_78 = arith.cmpi slt, %select_n3A_71, %lt3A_77 : i32
      %ne3A_79 = arith.xori %lt3A_76, %lt3A_78 : i1
      %and3A_80 = arith.andi %ne3A_79, %ne3A_74 : i1
      %add3A_81 = arith.addi %rem3A_72, %select_n3A_71 : i32
      %select_n3A_82 = arith.select %and3A_80, %add3A_81, %rem3A_72 : i32
      %jit3A_83 = arith.constant 3 : i32
      %eq3A_84 = arith.constant 0 : i32
      %eq3A_85 = arith.cmpi eq, %jit3A_83, %eq3A_84 : i32
      %jit3A_86 = arith.constant 1 : i32
      %select_n3A_87 = arith.select %eq3A_85, %jit3A_86, %jit3A_83 : i32
      %rem3A_88 = arith.remsi %get3A_0, %select_n3A_87 : i32
      %ne3A_89 = arith.constant 0 : i32
      %ne3A_90 = arith.cmpi ne, %rem3A_88, %ne3A_89 : i32
      %lt3A_91 = arith.constant 0 : i32
      %lt3A_92 = arith.cmpi slt, %rem3A_88, %lt3A_91 : i32
      %lt3A_93 = arith.constant 0 : i32
      %lt3A_94 = arith.cmpi slt, %select_n3A_87, %lt3A_93 : i32
      %ne3A_95 = arith.xori %lt3A_92, %lt3A_94 : i1
      %and3A_96 = arith.andi %ne3A_95, %ne3A_90 : i1
      %add3A_97 = arith.addi %rem3A_88, %select_n3A_87 : i32
      %select_n3A_98 = arith.select %and3A_96, %add3A_97, %rem3A_88 : i32
      %dma_wait3A = tpu.memref_slice %arg8[%select_n3A_98] : memref<3x!tpu.dma_semaphore, #tpu.memory_space<semaphore_mem>> -> memref<1x!tpu.dma_semaphore, #tpu.memory_space<semaphore_mem>>
      %dma_wait3A_99 = tpu.memref_squeeze %dma_wait3A : memref<1x!tpu.dma_semaphore, #tpu.memory_space<semaphore_mem>> -> memref<!tpu.dma_semaphore, #tpu.memory_space<semaphore_mem>>
      %dma_wait3A_100 = arith.constant 0 : i32
      %dma_wait3A_101 = arith.constant 0 : i32
      %dma_wait3A_102 = tpu.memref_slice %arg7[%select_n3A_82, %dma_wait3A_100, %dma_wait3A_101] : memref<3x768x768xf32, #tpu.memory_space<vmem>> -> memref<1x768x768xf32, #tpu.memory_space<vmem>>
      %dma_wait3A_103 = tpu.memref_squeeze %dma_wait3A_102 : memref<1x768x768xf32, #tpu.memory_space<vmem>> -> memref<768x768xf32, #tpu.memory_space<vmem>>
      %dma_wait3A_104 = arith.constant 0 : i32
      %dma_wait3A_105 = arith.constant 0 : i32
      %dma_wait3A_106 = tpu.memref_slice %arg4[%get3A_66, %dma_wait3A_104, %dma_wait3A_105] : memref<64x768x768xf32, #tpu.memory_space<any>> -> memref<1x768x768xf32, #tpu.memory_space<any>>
      %dma_wait3A_107 = tpu.memref_squeeze %dma_wait3A_106 : memref<1x768x768xf32, #tpu.memory_space<any>> -> memref<768x768xf32, #tpu.memory_space<any>>
      tpu.wait_dma2 semaphore(%dma_wait3A_99 : memref<!tpu.dma_semaphore, #tpu.memory_space<semaphore_mem>>) src(%dma_wait3A_107 : memref<768x768xf32, #tpu.memory_space<any>>) dst(%dma_wait3A_103 : memref<768x768xf32, #tpu.memory_space<vmem>>)
    } else {
    }
    %get3A_35 = arith.constant 0 : index
    %get3A_36 = arith.constant 0 : index
    %get3A_37 = vector.load %arg3[%get3A_35, %get3A_36] : memref<64x768xf32, #tpu.memory_space<vmem>>, vector<64x768xf32>
    %jit3A = arith.constant 3 : i32
    %eq3A_38 = arith.constant 0 : i32
    %eq3A_39 = arith.cmpi eq, %jit3A, %eq3A_38 : i32
    %jit3A_40 = arith.constant 1 : i32
    %select_n3A = arith.select %eq3A_39, %jit3A_40, %jit3A : i32
    %rem3A = arith.remsi %get3A_0, %select_n3A : i32
    %ne3A_41 = arith.constant 0 : i32
    %ne3A_42 = arith.cmpi ne, %rem3A, %ne3A_41 : i32
    %lt3A = arith.constant 0 : i32
    %lt3A_43 = arith.cmpi slt, %rem3A, %lt3A : i32
    %lt3A_44 = arith.constant 0 : i32
    %lt3A_45 = arith.cmpi slt, %select_n3A, %lt3A_44 : i32
    %ne3A_46 = arith.xori %lt3A_43, %lt3A_45 : i1
    %and3A_47 = arith.andi %ne3A_46, %ne3A_42 : i1
    %add3A_48 = arith.addi %rem3A, %select_n3A : i32
    %select_n3A_49 = arith.select %and3A_47, %add3A_48, %rem3A : i32
    %get3A_50 = arith.index_cast %select_n3A_49 : i32 to index
    %get3A_51 = arith.constant 0 : index
    %get3A_52 = arith.constant 0 : index
    %get3A_53 = vector.load %arg7[%get3A_50, %get3A_51, %get3A_52] : memref<3x768x768xf32, #tpu.memory_space<vmem>>, vector<1x768x768xf32>
    %get3A_54 = vector.shape_cast %get3A_53 : vector<1x768x768xf32> to vector<768x768xf32>
    %dot_general3A = arith.constant dense<0.000000e+00> : vector<64x768xf32>
    %dot_general3A_55 = tpu.matmul %get3A_37, %get3A_54, %dot_general3A {dimension_numbers = #tpu.dot_dimension_numbers<[1], [0], [0], [1], [0, 0, 1, 1], [], []>, transpose_lhs_hint = false} : vector<64x768xf32>, vector<768x768xf32>, vector<64x768xf32> -> vector<64x768xf32>
    %get3A_56 = arith.constant 0 : index
    %get3A_57 = arith.constant 0 : index
    %get3A_58 = arith.constant 0 : index
    %get3A_59 = vector.load %arg5[%get3A_56, %get3A_57, %get3A_58] : memref<1x1x768xf32, #tpu.memory_space<vmem>>, vector<1x1x768xf32>
    %get3A_60 = vector.shape_cast %get3A_59 : vector<1x1x768xf32> to vector<1x768xf32>
    %add3A_61 = vector.broadcast %get3A_60 : vector<1x768xf32> to vector<64x768xf32>
    %add3A_62 = arith.addf %dot_general3A_55, %add3A_61 : vector<64x768xf32>
    %swap3A = arith.constant 0 : index
    %swap3A_63 = arith.constant 0 : index
    %swap3A_64 = vector.load %arg6[%swap3A, %swap3A_63] : memref<64x768xf32, #tpu.memory_space<vmem>>, vector<64x768xf32>
    tpu.vector_store %arg6[%swap3A, %swap3A_63], %add3A_62 {strides = array<i32>} : memref<64x768xf32, #tpu.memory_space<vmem>>, vector<64x768xf32>,
    return
  }
  func.func @transform_0(%arg0: i32, %arg1: memref<128xi32, #tpu.memory_space<smem>>, %arg2: memref<128xi32, #tpu.memory_space<smem>>) -> (i32, i32) {
    %c0_i32 = arith.constant 0 : i32
    %c0_i32_0 = arith.constant 0 : i32
    return %arg0, %c0_i32 : i32, i32
  }
  func.func @transform_2(%arg0: i32, %arg1: memref<128xi32, #tpu.memory_space<smem>>, %arg2: memref<128xi32, #tpu.memory_space<smem>>) -> (i32, i32, i32) {
    %get3A = arith.index_cast %arg0 : i32 to index
    %get3A_0 = memref.load %arg1[%get3A] : memref<128xi32, #tpu.memory_space<smem>>
    %get3A_1 = arith.index_cast %get3A_0 : i32 to index
    %get3A_2 = memref.load %arg2[%get3A_1] : memref<128xi32, #tpu.memory_space<smem>>
    %c0_i32 = arith.constant 0 : i32
    %c0_i32_3 = arith.constant 0 : i32
    %c0_i32_4 = arith.constant 0 : i32
    return %get3A_2, %c0_i32, %c0_i32_3 : i32, i32, i32
  }
  func.func @transform_3(%arg0: i32, %arg1: memref<128xi32, #tpu.memory_space<smem>>, %arg2: memref<128xi32, #tpu.memory_space<smem>>) -> (i32, i32) {
    %c0_i32 = arith.constant 0 : i32
    %c0_i32_0 = arith.constant 0 : i32
    return %arg0, %c0_i32 : i32, i32
  }
}

</mosaic_0001>

<sc_bundles>
// kernel: kernel.10.cloned.1.call-start
scs
__scs_entry_jumppad:
0x0: {  	(pc) =	sbr.rel $0x88, $3  }
0x1: {  	(tag) =	ssettag $0x0;
	lr =	simm.s32 $0x1  }
0x2: {  	[smem:$0x3F9C] =	sst lr;
	_ =	strace $0xD0000000  }
0x3: {  	_ = 	snop  }
0x4: {  	_ = 	snop  }
0x5: {  	_ = 	snop  }
0x6: {  	_ = 	snop  }
0x7: {  	_ = 	snop  }
__scs_overlays_trampoline_lowered:
0x8: {  	[smem:$0x3FAB] =	sst s0  }
0x9: {  	[smem:$0x3FAC] =	sst s1  }
0xa: {  	[smem:$0x3FAD] =	sst s2  }
0xb: {  	[smem:$0x3FAE] =	sst s3  }
0xc: {  	[smem:$0x3FAF] =	sst s4  }
0xd: {  	[smem:$0x3FB0] =	sst s5  }
0xe: {  	[smem:$0x3FB1] =	sst s6  }
0xf: {  	[smem:$0x3FB2] =	sst s7  }
0x10: {  	[smem:$0x3FB3] =	sst s8  }
0x11: {  	[smem:$0x3FB4] =	sst s9;
	s0 =	simm.s32 @!p0 $0x0  }
0x12: {  	s1 =	sld [smem:$0x3F9A];
	s0 =	simm.s32 @p0 $0x1  }
0x13: {  	[smem:$0x3FB5] =	sst s0;
	s0 =	simm.s32 @!p1 $0x0  }
0x14: {  	s2 =	sld [smem:$0x3F99];
	s0 =	simm.s32 @p1 $0x1  }
0x15: {  	[smem:$0x3FB6] =	sst s0;
	s0 =	simm.s32 @!p2 $0x0  }
0x16: {  	s3 =	sld [smem:$0x3FDB];
	s0 =	simm.s32 @p2 $0x1  }
0x17: {  	s4 =	simm.s32 $0x1BF5;
	[smem:$0x3FB8] =	sst s0  }
0x18: {  	s0 =	sld [smem:$0x3F9B];
	_ =	swait.ge [sflag:s4], $0x0  }
0x19: {  	s7 =	sld [smem:$0x3F9C]  }
0x1a: {  	s8 =	sadd.s32 $0xFFFFE003, lr  }
0x1b: {  	s9 =	sadd.s32 $0xFFFFFEF7, lr;
	s5 =	simm.s32 $0xFFFFFFFF;
	p2 =	slt.u32 s8, $0xFFFFF086  }
0x1c: {  	p1 =	slt.u32 s9, $0xF7A;
	s5 =	simm.s32 @!p2 $0x0  }
0x1d: {  	s5 =	simm.s32 @p1 $0x1;
	p0 =	seq.s32 s7, s2  }
0x1e: {  	s7 =	smul.u32 @!p0 $0xF7A, s2;
	p2 =	seq.s32 @!p0 s5, $0x0  }
0x1f: {  	s9 =	smul.u32 $0xF7A, s1;
	s8 =	simm.s32 @!p0 $0x1BF5;
	p2 =	por !p2, p0  }
0x20: {  	[sflag:s8] =	ssyncset.s32 @!p0 $0xFFFFF086;
	s6 =	sadd.s32 @!p0 s3, s7;
	s7 =	simm.s32 @!p0 $0x108  }
0x21: {  	s3 =	sadd.s32 s3, s9;
	s6 =	sadd.s32 @!p0 $0x88, s6;
	s7 =	simm.s32 @p2 $0x1082  }
0x22: {  	[simem:s7], [sflag:s8] =	dma.local @!p0 [hbm:s6], $0xF7A  }
0x23: {  	s9 =	sor.u32 $0xD0000000, s2;
	s6 =	simm.s32 $0x108;
	_ =	swait.ge @!p0 [sflag:s8], $0x0  }
0x24: {  	s3 =	sadd.s32 $0x88, s3;
	s6 =	simm.s32 @!p1 $0x1082;
	[sflag:s4] =	ssyncset.s32 $0xFFFFF086  }
0x25: {  	[simem:s6], [sflag:s4] =	dma.local [hbm:s3], $0xF7A  }
0x26: {  	[smem:$0x3F9C] =	sst s1;
	(tag) =	ssettag s2;
	_ =	strace s9  }
0x27: {  	s1 =	sld [smem:$0x3FAC]  }
0x28: {  	s2 =	sld [smem:$0x3FAD]  }
0x29: {  	s4 =	sld [smem:$0x3FAF]  }
0x2a: {  	p0 =	seq.s32 s5, $0x0;
	s5 =	sld [smem:$0x3FB0]  }
0x2b: {  	s6 =	sld [smem:$0x3FB1]  }
0x2c: {  	s7 =	sld [smem:$0x3FB2]  }
0x2d: {  	s3 =	simm.s32 $0x108;
	s8 =	sld [smem:$0x3FB3]  }
0x2e: {  	s3 =	simm.s32 @!p0 $0x1082;
	s9 =	sld [smem:$0x3FB4]  }
0x2f: {  	lr =	sadd.s32 s0, s3;
	s0 =	sld [smem:$0x3FAB]  }
0x30: {  	s3 =	sld [smem:$0x3FAE]  }
0x31: {  	[smem:$0x3FB7] =	sst s10  }
0x32: {  	s10 =	sld [smem:$0x3FB5];
	_ =	sdelay $0x3  }
0x33: {  	p0 =	seq.s32 s10, $0x1;
	s10 =	sld [smem:$0x3FB7];
	_ =	sdelay $0x3  }
0x34: {  	[smem:$0x3FB7] =	sst s10  }
0x35: {  	s10 =	sld [smem:$0x3FB6];
	_ =	sdelay $0x3  }
0x36: {  	p1 =	seq.s32 s10, $0x1;
	s10 =	sld [smem:$0x3FB7];
	_ =	sdelay $0x3  }
0x37: {  	[smem:$0x3FB7] =	sst s10  }
0x38: {  	s10 =	sld [smem:$0x3FB8]  }
0x39: {  	_ = 	snop;
	(pc) =	sbr.ind lr, $3  }
0x3a: {  	_ = 	snop  }
0x3b: {  	_ = 	snop  }
0x3c: {  	p2 =	seq.s32 s10, $0x1;
	s10 =	sld [smem:$0x3FB7]  }
0x3d: {  	_ =	shalt  }
0x3e: {  	_ =	shalt  }
0x3f: {  	_ =	shalt  }
0x40: {  	_ =	shalt  }
0x41: {  	_ =	shalt  }
0x42: {  	_ =	shalt  }
0x43: {  	_ =	shalt  }
0x44: {  	_ =	shalt  }
0x45: {  	_ =	shalt  }
0x46: {  	_ =	shalt  }
0x47: {  	_ =	shalt  }
0x48: {  	_ =	shalt  }
0x49: {  	_ =	shalt  }
0x4a: {  	_ =	shalt  }
0x4b: {  	_ =	shalt  }
0x4c: {  	_ =	shalt  }
0x4d: {  	_ =	shalt  }
0x4e: {  	_ =	shalt  }
0x4f: {  	_ =	shalt  }
0x50: {  	_ =	shalt  }
0x51: {  	_ =	shalt  }
0x52: {  	_ =	shalt  }
0x53: {  	_ =	shalt  }
0x54: {  	_ =	shalt  }
0x55: {  	_ =	shalt  }
0x56: {  	_ =	shalt  }
0x57: {  	_ =	shalt  }
0x58: {  	_ =	shalt  }
0x59: {  	_ =	shalt  }
0x5a: {  	_ =	shalt  }
0x5b: {  	_ =	shalt  }
0x5c: {  	_ =	shalt  }
0x5d: {  	_ =	shalt  }
0x5e: {  	_ =	shalt  }
0x5f: {  	_ =	shalt  }
0x60: {  	_ =	shalt  }
0x61: {  	_ =	shalt  }
0x62: {  	_ =	shalt  }
0x63: {  	_ =	shalt  }
0x64: {  	_ =	shalt  }
0x65: {  	_ =	shalt  }
0x66: {  	_ =	shalt  }
0x67: {  	_ =	shalt  }
0x68: {  	_ =	shalt  }
0x69: {  	_ =	shalt  }
0x6a: {  	_ =	shalt  }
0x6b: {  	_ =	shalt  }
0x6c: {  	_ =	shalt  }
0x6d: {  	_ =	shalt  }
0x6e: {  	_ =	shalt  }
0x6f: {  	_ =	shalt  }
0x70: {  	_ =	shalt  }
0x71: {  	_ =	shalt  }
0x72: {  	_ =	shalt  }
0x73: {  	_ =	shalt  }
0x74: {  	_ =	shalt  }
0x75: {  	_ =	shalt  }
0x76: {  	_ =	shalt  }
0x77: {  	_ =	shalt  }
0x78: {  	_ =	shalt  }
0x79: {  	_ =	shalt  }
0x7a: {  	_ =	shalt  }
0x7b: {  	_ =	shalt  }
0x7c: {  	_ =	shalt  }
0x7d: {  	_ =	shalt  }
0x7e: {  	_ =	shalt  }
0x7f: {  	_ =	shalt  }
0x80: {  	_ =	shalt  }
0x81: {  	_ =	shalt  }
0x82: {  	_ =	shalt  }
0x83: {  	_ =	shalt  }
0x84: {  	_ =	shalt  }
0x85: {  	_ =	shalt  }
0x86: {  	_ =	shalt  }
0x87: {  	_ =	shalt  }
.Lfunc_end0:
.L_simem_size_0:
called_computation.1_lowered:
.L_overlay_start_0:
0x88: {  	s2 =	sld [smem:$0x3FD9]  }
0x89: {  	s3 =	sld [smem:$0x3FFE];
	_ =	sdelay $0x1  }
0x8a: {  	s1 =	srdreg.scid  }
0x8b: {  	s0 =	sand.u32 $0x1, s1  }
0x8c: {  	s16 =	sshll.u32 s0, $0xA;
	s2 =	sadd.s32 s3, s2  }
0x8d: {  	s2 =	sadd.s32 s2, s16  }
0x8e: {  	[smem:$0x3FC3] =	sst s2  }
0x8f: {  	_ = 	snop  }
0x90: {  	(tm) =	ssettm $0x1  }
0x91: {  	s17 =	sld [smem:$0x3FFB];
	_ =	sdelay $0x3  }
0x92: {  	_ =	strace s17  }
0x93: {  	s2 =	sld [smem:$0x3FFC];
	_ =	sdelay $0x3  }
0x94: {  	_ =	strace s2  }
0x95: {  	s2 =	sld [smem:$0x3FFD];
	_ =	sdelay $0x3  }
0x96: {  	_ =	strace s2  }
0x97: {  	_ =	strace $0x8FFFFFFF  }
0x98: {  	s18 =	sld [smem:$0x3FDB];
	_ =	sdelay $0x1  }
0x99: {  	s19 =	simm.s32 $_scs_section_size  }
0x9a: {  	s4 =	simm.s32 $_size__tile_overlayer_lowered;
	s5 =	simm.s32 $_tile_overlayer_lowered  }
0x9b: {  	s22 =	simm.s32 $0x1BFF;
	s21 =	sshll.u32 s5, $0x1;
	s2 =	sadd.s32 s19, s18  }
0x9c: {  	s6 =	simm.s32 $0x0;
	s20 =	sshll.u32 s4, $0x1;
	s4 =	sadd.s32 s21, s2  }
0x9d: {  	[timem:s6], [sflag:s22] =	dma.local [hbm:s4], s20  }
0x9e: {  	_ =	swait.ge [sflag:s22], s20  }
0x9f: {  	s3 =	ssub.s32 $0x0, s20;
	[sflag:s22] =	ssyncset.done $0x0  }
0xa0: {  	[sflag:s22] =	ssyncadd.s32 s3;
	_ =	sdelay $0x1  }
0xa1: {  	s23 =	simm.s32 $0x1B8B  }
0xa2: {  	_ =	swait.ge [sflag:s23], $0x1  }
0xa3: {  	[sflag:s23] =	ssyncset.done $0x0  }
0xa4: {  	s25 =	simm.s32 $0x1B8E;
	s24 =	sld [smem:$0x3FFE];
	[sflag:s23] =	ssyncadd.s32 $0xFFFFFFFF  }
0xa5: {  	s26 =	simm.s32 $execute0_lowered;
	[smem:$0x3FD2] =	sst s25  }
0xa6: {  	s4 =	sshll.u32 s26, $0x1;
	_ =	strace $0x80000049;
	[dreg:$0x1] =	wrdreg $0xFFFFFFFF  }
0xa7: {  	s28 =	simm.s32 $_size_execute0_lowered;
	s2 =	sadd.s32 s2, s4;
	[dreg:$0x0] =	wrdreg $0x0  }
0xa8: {  	s4 =	sshll.u32 s28, $0x1;
	[dreg:$0x2] =	wrdreg s2  }
0xa9: {  	[dreg:$0x3] =	wrdreg s4  }
0xaa: {  	[dreg:$0x4] =	wrdreg $0xC0  }
0xab: {  	_ =	task [dreg:s6], $0x5FFFF  }
0xac: {  	[dreg:$0x1] =	wrdreg $0xFFFFFFFF  }
0xad: {  	[dreg:$0x0] =	wrdreg $0x60  }
0xae: {  	[dreg:$0x2] =	wrdreg s24  }
0xaf: {  	[dreg:$0x3] =	wrdreg $0x9  }
0xb0: {  	_ =	task.clear_ibuf [dreg:s6], $0x4FFFF;
	_ =	strace $0x90000049  }
0xb1: {  	s29 =	simm.s32 $0x9;
	_ =	strace $0x8000004B  }
0xb2: {  	_ =	swait.ge [sflag:s29], $0x1  }
0xb3: {  	[sflag:s29] =	ssyncadd.s32 $0xFFFFFFFF  }
0xb4: {  	_ =	strace $0x9000004B  }
0xb5: {  	_ =	sfence  }
0xb6: {  	s30 =	sld [smem:$0x0];
	_ =	sdelay $0x2  }
0xb7: {  	s31 =	sshll.u32 s1, $0xD;
	s1 =	sshrl.u32 s1, $0x2  }
0xb8: {  	s3 =	sand.u32 $0x4000, s31;
	s1 =	sadd.s32 s1, s30  }
0xb9: {  	s0 =	sor.u32 s3, s0;
	s1 =	sshll.u32 s1, $0x11  }
0xba: {  	s0 =	sor.u32 s1, s0  }
0xbb: {  	s0 =	sadd.s32 $0x8F2B, s0  }
0xbc: {  	[sflag:s0] =	ssyncadd.remote.s32 $0x1  }
0xbd: {  	_ =	sfence.sel $0xFFFF  }
0xbe: {  	[dreg:$0x0] =	wrdreg $0xFFFFFFFF;
	(pc) =	sbr.abs _section_cstart, $3  }
0xbf: {  	[dreg:$0x1] =	wrdreg $0xFFFFFFFF  }
0xc0: {  	_ =	task.clear_ibuf [dreg:s6], $0x2FFFF;
	_ =	strace $0x9FFFFFFF  }
0xc1: {  	(tm) =	ssettm $0x7FFFFFFF  }
tec
execute0_lowered:
.L_overlay_start_1:
0x0: {  	(tag) =	ssettag $0x1  }
0x1: {  	s1 =	srdreg.scid  }
0x2: {  	s2 =	simm.s32 $0x0;
	s4 =	sand.u32 $0x1, s1;
	s1 =	rddreg [dreg:$0x0]  }
0x3: {  	s23 =	simm.s32 $0x80;
	[smem:$0x7FF] =	sst s2  }
0x4: {  	s24 =	simm.s32 $0x900;
	_ =	strace $0x8000004A;
	[dreg:$0x6] =	wrdreg s23  }
0x5: {  	s25 =	simm.s32 $0x1100;
	[dreg:$0x7] =	wrdreg s24  }
0x6: {  	s0 =	stileid.u32;
	s26 =	simm.s32 $0x1900;
	[dreg:$0x8] =	wrdreg s25  }
0x7: {  	s3 =	sshll.u32 s0, $0x4;
	s0 =	simm.s32 $0x2100;
	[dreg:$0x9] =	wrdreg s26  }
0x8: {  	s7 =	simm.s32 $0x3900;
	[dreg:$0xa] =	wrdreg s0  }
0x9: {  	s8 =	simm.s32 $0x4100;
	[dreg:$0xd] =	wrdreg s7  }
0xa: {  	s9 =	simm.s32 $0x4900;
	[dreg:$0xe] =	wrdreg s8  }
0xb: {  	s10 =	simm.s32 $0x5100;
	[dreg:$0xf] =	wrdreg s9  }
0xc: {  	s11 =	simm.s32 $0x5900;
	[dreg:$0x10] =	wrdreg s10  }
0xd: {  	s12 =	simm.s32 $0x6100;
	[dreg:$0x11] =	wrdreg s11  }
0xe: {  	s13 =	simm.s32 $0x6900;
	[dreg:$0x12] =	wrdreg s12  }
0xf: {  	s14 =	simm.s32 $0x7100;
	[dreg:$0x13] =	wrdreg s13  }
0x10: {  	s15 =	simm.s32 $0x7900;
	[dreg:$0x14] =	wrdreg s14  }
0x11: {  	s16 =	simm.s32 $0x8100;
	[dreg:$0x15] =	wrdreg s15  }
0x12: {  	s17 =	simm.s32 $0x8900;
	s18 =	simm.s32 $0x9100;
	[dreg:$0x16] =	wrdreg s16  }
0x13: {  	s19 =	simm.s32 $0x9900;
	s21 =	simm.s32 $0xA100;
	[dreg:$0x17] =	wrdreg s17  }
0x14: {  	s28 =	simm.s32 $0x16900;
	s29 =	simm.s32 $0x17100;
	[dreg:$0x18] =	wrdreg s18  }
0x15: {  	s30 =	simm.s32 $0x17900;
	s31 =	simm.s32 $0x1;
	[dreg:$0x19] =	wrdreg s19  }
0x16: {  	s5 =	sshll.u32 s4, $0x3;
	s4 =	ssub.s32 $0x2, s4;
	[dreg:$0x1a] =	wrdreg s21  }
0x17: {  	s7 =	simm.s32 $0xB100;
	s23 =	simm.s32 $0xB900;
	s24 =	simm.s32 $0xC900  }
0x18: {  	s25 =	simm.s32 $0xD100;
	s8 =	simm.s32 $0x100;
	s26 =	simm.s32 $0xD900  }
0x19: {  	s9 =	simm.s32 $0xC100;
	s11 =	simm.s32 $0xE900;
	s12 =	simm.s32 $0xF100  }
0x1a: {  	s13 =	simm.s32 $0xF900;
	s14 =	simm.s32 $0x10100;
	s15 =	simm.s32 $0x10900  }
0x1b: {  	s16 =	simm.s32 $0x11100;
	s17 =	simm.s32 $0x11900;
	[dreg:$0x1c] =	wrdreg s7  }
0x1c: {  	s18 =	simm.s32 $0x12100;
	s19 =	simm.s32 $0x12900;
	[dreg:$0x1d] =	wrdreg s23  }
0x1d: {  	s21 =	simm.s32 $0x13900;
	s3 =	sor.u32 s5, s3;
	[dreg:$0x1e] =	wrdreg s24  }
0x1e: {  	s20 =	sshrl.u32 s4, $0x1;
	s7 =	simm.s32 $0x3;
	[dreg:$0x1f] =	wrdreg s25  }
0x1f: {  	[smem:$0x7FD] =	sst s26;
	s23 =	simm.s32 $0x14900;
	s5 =	sadd.s32 s3, s1  }
0x20: {  	s24 =	simm.s32 $0x15100;
	s25 =	simm.s32 $0x15900;
	s6 =	sadd.s32 $0xC1600, s5  }
0x21: {  	s3 =	smul.u32 $0x300, s3;
	s5 =	sadd.s32 $0xC1400, s5;
	[dreg:$0x2] =	wrdreg s6  }
0x22: {  	s26 =	simm.s32 $0x16100;
	[dreg:$0x3] =	wrdreg s5;
	s5 =	simm.s32 $0x2900  }
0x23: {  	s3 =	sadd.s32 s3, s1;
	s6 =	simm.s32 $0x3100;
	[dreg:$0xb] =	wrdreg s5  }
0x24: {  	s22 =	sadd.s32 $0x1400, s3;
	s3 =	sadd.s32 $0x31400, s3;
	[dreg:$0xc] =	wrdreg s6  }
0x25: {  	s6 =	ssub.s32 s4, s20;
	s4 =	sadd.s32 $0xC1900, s1;
	[dreg:$0x4] =	wrdreg s22  }
0x26: {  	v2 =	vlaneseq.u32;
	s5 =	sadd.s32 $0xC1A00, s1;
	s20 =	simm.s32 $0x13100;
	[dreg:$0x5] =	wrdreg s3  }
0x27: {  	vm0 =	vmmov $0xffff;
	v1 =	vshrl.u32 v2, $0x3;
	s3 =	sadd.s32 $0xC1800, s1;
	s22 =	simm.s32 $0xA900;
	s6 =	smax.u32 s6, $0x1  }
0x28: {  	v0 =	vand.u32 $0x7, v2;
	v2 =	vor.u32 $0x8, v2;
	v1 =	vmul.u32 $0x8, v1;
	s1 =	simm.s32 $0x2;
	[dreg:$0x1b] =	wrdreg s22;
	s22 =	simm.s32 $0x14100  }
.LBB2_1:
0x29: {  	s0 =	rddreg [dreg:$0x2]  }
0x2a: {  	[tilespmem:s2], [sflag:$0x3] =	stream.linear.gather [hbm4b:s0+s2], $0x40, $0x38;
	[tilespmem:$0x18100] =	vst v63  }
0x2b: {  	_ =	swait.ge [sflag:s7], $0x40  }
0x2c: {  	s0 =	rddreg [dreg:$0x3];
	[sflag:s7] =	ssyncset.done $0x0  }
0x2d: {  	s10 =	rddreg [dreg:$0x6];
	[sflag:s7] =	ssyncadd.s32 $0xFFFFFFC0  }
0x2e: {  	[tilespmem:s10], [sflag:$0x3] =	stream.linear.gather [hbm4b:s0+s2], $0x40, $0x38;
	[tilespmem:$0x18100] =	vst v63  }
0x2f: {  	_ =	swait.ge [sflag:s7], $0x40  }
0x30: {  	[sflag:s7] =	ssyncset.done $0x0  }
0x31: {  	[sflag:s7] =	ssyncadd.s32 $0xFFFFFFC0  }
0x32: {  	v3 =	vld [tilespmem:$0x0];
	_ =	sdelay $0x4  }
0x33: {  	v4 =	vshrl.u32 v3, $0x3  }
0x34: {  	v4 =	vmul.u32 $0x30, v4  }
0x35: {  	v3 =	vand.u32 $0x7, v3  }
0x36: {  	v3 =	vor.u32 v3, v4  }
0x37: {  	v4 =	vperm.xlane v3, v0;
	_ =	sdelay $0x1  }
0x38: {  	v4 =	vadd.s32 v1, v4;
	_ =	sdelay $0x3  }
0x39: {  	v3 =	vperm.xlane v3, v2  }
0x3a: {  	[tilespmem:s8], [sflag:$0x1] =	stream.indirect_vreg.gather [hbm4b:s3+s2], $0x80, v4, vm0, $0xb8;
	[tilespmem:$0x18100] =	vst v63  }
0x3b: {  	s0 =	rddreg [dreg:$0x7];
	v3 =	vadd.s32 v1, v3  }
0x3c: {  	[tilespmem:s0], [sflag:$0x1] =	stream.indirect_vreg.gather [hbm4b:s4+s2], $0x80, v4, vm0, $0xb8;
	[tilespmem:$0x18100] =	vst v63  }
0x3d: {  	s10 =	rddreg [dreg:$0x8]  }
0x3e: {  	[tilespmem:s10], [sflag:$0x1] =	stream.indirect_vreg.gather [hbm4b:s5+s2], $0x80, v4, vm0, $0xb8;
	[tilespmem:$0x18100] =	vst v63  }
0x3f: {  	s0 =	rddreg [dreg:$0x9]  }
0x40: {  	[tilespmem:s0], [sflag:$0x1] =	stream.indirect_vreg.gather [hbm4b:s3+s2], $0x80, v3, vm0, $0xb8;
	[tilespmem:$0x18100] =	vst v63  }
0x41: {  	s10 =	rddreg [dreg:$0xa]  }
0x42: {  	[tilespmem:s10], [sflag:$0x1] =	stream.indirect_vreg.gather [hbm4b:s4+s2], $0x80, v3, vm0, $0xb8;
	[tilespmem:$0x18100] =	vst v63  }
0x43: {  	s0 =	rddreg [dreg:$0xb]  }
0x44: {  	[tilespmem:s0], [sflag:$0x1] =	stream.indirect_vreg.gather [hbm4b:s5+s2], $0x80, v3, vm0, $0xb8;
	[tilespmem:$0x18100] =	vst v63  }
0x45: {  	v3 =	vld [tilespmem:$0x10];
	_ =	sdelay $0x4  }
0x46: {  	v57 =	vshrl.u32 v3, $0x3  }
0x47: {  	v4 =	vmul.u32 $0x30, v57  }
0x48: {  	v3 =	vand.u32 $0x7, v3  }
0x49: {  	v3 =	vor.u32 v3, v4  }
0x4a: {  	v4 =	vperm.xlane v3, v0;
	_ =	sdelay $0x1  }
0x4b: {  	v4 =	vadd.s32 v1, v4;
	_ =	sdelay $0x3  }
0x4c: {  	s0 =	rddreg [dreg:$0xc];
	v3 =	vperm.xlane v3, v2  }
0x4d: {  	[tilespmem:s0], [sflag:$0x1] =	stream.indirect_vreg.gather [hbm4b:s3+s2], $0x80, v4, vm0, $0xb8;
	[tilespmem:$0x18100] =	vst v63  }
0x4e: {  	s10 =	rddreg [dreg:$0xd];
	v3 =	vadd.s32 v1, v3  }
0x4f: {  	[tilespmem:s10], [sflag:$0x1] =	stream.indirect_vreg.gather [hbm4b:s4+s2], $0x80, v4, vm0, $0xb8;
	[tilespmem:$0x18100] =	vst v63  }
0x50: {  	s0 =	rddreg [dreg:$0xe]  }
0x51: {  	[tilespmem:s0], [sflag:$0x1] =	stream.indirect_vreg.gather [hbm4b:s5+s2], $0x80, v4, vm0, $0xb8;
	[tilespmem:$0x18100] =	vst v63  }
0x52: {  	s10 =	rddreg [dreg:$0xf]  }
0x53: {  	[tilespmem:s10], [sflag:$0x1] =	stream.indirect_vreg.gather [hbm4b:s3+s2], $0x80, v3, vm0, $0xb8;
	[tilespmem:$0x18100] =	vst v63  }
0x54: {  	s0 =	rddreg [dreg:$0x10]  }
0x55: {  	[tilespmem:s0], [sflag:$0x1] =	stream.indirect_vreg.gather [hbm4b:s4+s2], $0x80, v3, vm0, $0xb8;
	[tilespmem:$0x18100] =	vst v63  }
0x56: {  	s10 =	rddreg [dreg:$0x11]  }
0x57: {  	[tilespmem:s10], [sflag:$0x1] =	stream.indirect_vreg.gather [hbm4b:s5+s2], $0x80, v3, vm0, $0xb8;
	[tilespmem:$0x18100] =	vst v63  }
0x58: {  	v3 =	vld [tilespmem:$0x20];
	_ =	sdelay $0x4  }
0x59: {  	v58 =	vshrl.u32 v3, $0x3  }
0x5a: {  	v4 =	vmul.u32 $0x30, v58  }
0x5b: {  	v3 =	vand.u32 $0x7, v3  }
0x5c: {  	v3 =	vor.u32 v3, v4  }
0x5d: {  	v4 =	vperm.xlane v3, v0;
	_ =	sdelay $0x1  }
0x5e: {  	v4 =	vadd.s32 v1, v4;
	_ =	sdelay $0x3  }
0x5f: {  	s0 =	rddreg [dreg:$0x12];
	v3 =	vperm.xlane v3, v2  }
0x60: {  	[tilespmem:s0], [sflag:$0x1] =	stream.indirect_vreg.gather [hbm4b:s3+s2], $0x80, v4, vm0, $0xb8;
	[tilespmem:$0x18100] =	vst v63  }
0x61: {  	s10 =	rddreg [dreg:$0x13];
	v3 =	vadd.s32 v1, v3  }
0x62: {  	[tilespmem:s10], [sflag:$0x1] =	stream.indirect_vreg.gather [hbm4b:s4+s2], $0x80, v4, vm0, $0xb8;
	[tilespmem:$0x18100] =	vst v63  }
0x63: {  	s0 =	rddreg [dreg:$0x14]  }
0x64: {  	[tilespmem:s0], [sflag:$0x1] =	stream.indirect_vreg.gather [hbm4b:s5+s2], $0x80, v4, vm0, $0xb8;
	[tilespmem:$0x18100] =	vst v63  }
0x65: {  	s10 =	rddreg [dreg:$0x15]  }
0x66: {  	[tilespmem:s10], [sflag:$0x1] =	stream.indirect_vreg.gather [hbm4b:s3+s2], $0x80, v3, vm0, $0xb8;
	[tilespmem:$0x18100] =	vst v63  }
0x67: {  	s0 =	rddreg [dreg:$0x16]  }
0x68: {  	[tilespmem:s0], [sflag:$0x1] =	stream.indirect_vreg.gather [hbm4b:s4+s2], $0x80, v3, vm0, $0xb8;
	[tilespmem:$0x18100] =	vst v63  }
0x69: {  	s10 =	rddreg [dreg:$0x17]  }
0x6a: {  	[tilespmem:s10], [sflag:$0x1] =	stream.indirect_vreg.gather [hbm4b:s5+s2], $0x80, v3, vm0, $0xb8;
	[tilespmem:$0x18100] =	vst v63  }
0x6b: {  	v3 =	vld [tilespmem:$0x30];
	_ =	sdelay $0x4  }
0x6c: {  	v59 =	vshrl.u32 v3, $0x3  }
0x6d: {  	v4 =	vmul.u32 $0x30, v59  }
0x6e: {  	v3 =	vand.u32 $0x7, v3  }
0x6f: {  	v3 =	vor.u32 v3, v4  }
0x70: {  	v4 =	vperm.xlane v3, v0;
	_ =	sdelay $0x1  }
0x71: {  	v4 =	vadd.s32 v1, v4;
	_ =	sdelay $0x3  }
0x72: {  	s0 =	rddreg [dreg:$0x18];
	v3 =	vperm.xlane v3, v2  }
0x73: {  	[tilespmem:s0], [sflag:$0x1] =	stream.indirect_vreg.gather [hbm4b:s3+s2], $0x80, v4, vm0, $0xb8;
	[tilespmem:$0x18100] =	vst v63  }
0x74: {  	s10 =	rddreg [dreg:$0x19];
	v3 =	vadd.s32 v1, v3  }
0x75: {  	[tilespmem:s10], [sflag:$0x1] =	stream.indirect_vreg.gather [hbm4b:s4+s2], $0x80, v4, vm0, $0xb8;
	[tilespmem:$0x18100] =	vst v63  }
0x76: {  	s0 =	rddreg [dreg:$0x1a]  }
0x77: {  	[tilespmem:s0], [sflag:$0x1] =	stream.indirect_vreg.gather [hbm4b:s5+s2], $0x80, v4, vm0, $0xb8;
	[tilespmem:$0x18100] =	vst v63  }
0x78: {  	s10 =	rddreg [dreg:$0x1b]  }
0x79: {  	[tilespmem:s10], [sflag:$0x1] =	stream.indirect_vreg.gather [hbm4b:s3+s2], $0x80, v3, vm0, $0xb8;
	[tilespmem:$0x18100] =	vst v63  }
0x7a: {  	s0 =	rddreg [dreg:$0x1c]  }
0x7b: {  	[tilespmem:s0], [sflag:$0x1] =	stream.indirect_vreg.gather [hbm4b:s4+s2], $0x80, v3, vm0, $0xb8;
	[tilespmem:$0x18100] =	vst v63  }
0x7c: {  	s10 =	rddreg [dreg:$0x1d]  }
0x7d: {  	[tilespmem:s10], [sflag:$0x1] =	stream.indirect_vreg.gather [hbm4b:s5+s2], $0x80, v3, vm0, $0xb8;
	[tilespmem:$0x18100] =	vst v63  }
0x7e: {  	v3 =	vld [tilespmem:$0x80];
	_ =	sdelay $0x4  }
0x7f: {  	v60 =	vshrl.u32 v3, $0x3  }
0x80: {  	v4 =	vmul.u32 $0x30, v60  }
0x81: {  	v3 =	vand.u32 $0x7, v3  }
0x82: {  	v3 =	vor.u32 v3, v4  }
0x83: {  	v4 =	vperm.xlane v3, v0;
	_ =	sdelay $0x1  }
0x84: {  	v4 =	vadd.s32 v1, v4;
	_ =	sdelay $0x3  }
0x85: {  	s0 =	rddreg [dreg:$0x1e];
	v3 =	vperm.xlane v3, v2  }
0x86: {  	[tilespmem:s9], [sflag:$0x2] =	stream.indirect_vreg.gather [hbm4b:s3+s2], $0x80, v4, vm0, $0xb8;
	[tilespmem:$0x18100] =	vst v63  }
0x87: {  	s10 =	rddreg [dreg:$0x1f];
	v3 =	vadd.s32 v1, v3  }
0x88: {  	[tilespmem:s0], [sflag:$0x2] =	stream.indirect_vreg.gather [hbm4b:s4+s2], $0x80, v4, vm0, $0xb8;
	[tilespmem:$0x18100] =	vst v63  }
0x89: {  	s0 =	sld [smem:$0x7FD]  }
0x8a: {  	[tilespmem:s10], [sflag:$0x2] =	stream.indirect_vreg.gather [hbm4b:s5+s2], $0x80, v4, vm0, $0xb8;
	[tilespmem:$0x18100] =	vst v63  }
0x8b: {  	_ = 	snop  }
0x8c: {  	[tilespmem:s0], [sflag:$0x2] =	stream.indirect_vreg.gather [hbm4b:s3+s2], $0x80, v3, vm0, $0xb8;
	[tilespmem:$0x18100] =	vst v63  }
0x8d: {  	s10 =	simm.s32 $0xE100  }
0x8e: {  	[tilespmem:s10], [sflag:$0x2] =	stream.indirect_vreg.gather [hbm4b:s4+s2], $0x80, v3, vm0, $0xb8;
	[tilespmem:$0x18100] =	vst v63  }
0x8f: {  	_ = 	snop  }
0x90: {  	[tilespmem:s11], [sflag:$0x2] =	stream.indirect_vreg.gather [hbm4b:s5+s2], $0x80, v3, vm0, $0xb8;
	[tilespmem:$0x18100] =	vst v63  }
0x91: {  	v3 =	vld [tilespmem:$0x90];
	_ =	sdelay $0x4  }
0x92: {  	v61 =	vshrl.u32 v3, $0x3  }
0x93: {  	v4 =	vmul.u32 $0x30, v61  }
0x94: {  	v3 =	vand.u32 $0x7, v3  }
0x95: {  	v3 =	vor.u32 v3, v4  }
0x96: {  	v4 =	vperm.xlane v3, v0;
	_ =	sdelay $0x1  }
0x97: {  	v4 =	vadd.s32 v1, v4;
	_ =	sdelay $0x3  }
0x98: {  	v3 =	vperm.xlane v3, v2  }
0x99: {  	[tilespmem:s12], [sflag:$0x2] =	stream.indirect_vreg.gather [hbm4b:s3+s2], $0x80, v4, vm0, $0xb8;
	[tilespmem:$0x18100] =	vst v63  }
0x9a: {  	v3 =	vadd.s32 v1, v3  }
0x9b: {  	[tilespmem:s13], [sflag:$0x2] =	stream.indirect_vreg.gather [hbm4b:s4+s2], $0x80, v4, vm0, $0xb8;
	[tilespmem:$0x18100] =	vst v63  }
0x9c: {  	_ = 	snop  }
0x9d: {  	[tilespmem:s14], [sflag:$0x2] =	stream.indirect_vreg.gather [hbm4b:s5+s2], $0x80, v4, vm0, $0xb8;
	[tilespmem:$0x18100] =	vst v63  }
0x9e: {  	_ = 	snop  }
0x9f: {  	[tilespmem:s15], [sflag:$0x2] =	stream.indirect_vreg.gather [hbm4b:s3+s2], $0x80, v3, vm0, $0xb8;
	[tilespmem:$0x18100] =	vst v63  }
0xa0: {  	_ = 	snop  }
0xa1: {  	[tilespmem:s16], [sflag:$0x2] =	stream.indirect_vreg.gather [hbm4b:s4+s2], $0x80, v3, vm0, $0xb8;
	[tilespmem:$0x18100] =	vst v63  }
0xa2: {  	_ = 	snop  }
0xa3: {  	[tilespmem:s17], [sflag:$0x2] =	stream.indirect_vreg.gather [hbm4b:s5+s2], $0x80, v3, vm0, $0xb8;
	[tilespmem:$0x18100] =	vst v63  }
0xa4: {  	v3 =	vld [tilespmem:$0xA0];
	_ =	sdelay $0x4  }
0xa5: {  	v62 =	vshrl.u32 v3, $0x3  }
0xa6: {  	v4 =	vmul.u32 $0x30, v62  }
0xa7: {  	v3 =	vand.u32 $0x7, v3  }
0xa8: {  	v3 =	vor.u32 v3, v4  }
0xa9: {  	v4 =	vperm.xlane v3, v0;
	_ =	sdelay $0x1  }
0xaa: {  	v4 =	vadd.s32 v1, v4;
	_ =	sdelay $0x3  }
0xab: {  	v3 =	vperm.xlane v3, v2  }
0xac: {  	[tilespmem:s18], [sflag:$0x2] =	stream.indirect_vreg.gather [hbm4b:s3+s2], $0x80, v4, vm0, $0xb8;
	[tilespmem:$0x18100] =	vst v63  }
0xad: {  	v3 =	vadd.s32 v1, v3  }
0xae: {  	[tilespmem:s19], [sflag:$0x2] =	stream.indirect_vreg.gather [hbm4b:s4+s2], $0x80, v4, vm0, $0xb8;
	[tilespmem:$0x18100] =	vst v63  }
0xaf: {  	_ = 	snop  }
0xb0: {  	[tilespmem:s20], [sflag:$0x2] =	stream.indirect_vreg.gather [hbm4b:s5+s2], $0x80, v4, vm0, $0xb8;
	[tilespmem:$0x18100] =	vst v63  }
0xb1: {  	_ = 	snop  }
0xb2: {  	[tilespmem:s21], [sflag:$0x2] =	stream.indirect_vreg.gather [hbm4b:s3+s2], $0x80, v3, vm0, $0xb8;
	[tilespmem:$0x18100] =	vst v63  }
0xb3: {  	_ = 	snop  }
0xb4: {  	[tilespmem:s22], [sflag:$0x2] =	stream.indirect_vreg.gather [hbm4b:s4+s2], $0x80, v3, vm0, $0xb8;
	[tilespmem:$0x18100] =	vst v63  }
0xb5: {  	_ = 	snop  }
0xb6: {  	[tilespmem:s23], [sflag:$0x2] =	stream.indirect_vreg.gather [hbm4b:s5+s2], $0x80, v3, vm0, $0xb8;
	[tilespmem:$0x18100] =	vst v63  }
0xb7: {  	v3 =	vld [tilespmem:$0xB0];
	_ =	sdelay $0x4  }
0xb8: {  	v63 =	vshrl.u32 v3, $0x3  }
0xb9: {  	v4 =	vmul.u32 $0x30, v63  }
0xba: {  	v3 =	vand.u32 $0x7, v3  }
0xbb: {  	v3 =	vor.u32 v3, v4  }
0xbc: {  	v4 =	vperm.xlane v3, v0;
	_ =	sdelay $0x1  }
0xbd: {  	v4 =	vadd.s32 v1, v4;
	_ =	sdelay $0x3  }
0xbe: {  	v3 =	vperm.xlane v3, v2  }
0xbf: {  	[tilespmem:s24], [sflag:$0x2] =	stream.indirect_vreg.gather [hbm4b:s3+s2], $0x80, v4, vm0, $0xb8;
	[tilespmem:$0x18100] =	vst v63  }
0xc0: {  	v3 =	vadd.s32 v1, v3  }
0xc1: {  	[tilespmem:s25], [sflag:$0x2] =	stream.indirect_vreg.gather [hbm4b:s4+s2], $0x80, v4, vm0, $0xb8;
	[tilespmem:$0x18100] =	vst v63  }
0xc2: {  	_ = 	snop  }
0xc3: {  	[tilespmem:s26], [sflag:$0x2] =	stream.indirect_vreg.gather [hbm4b:s5+s2], $0x80, v4, vm0, $0xb8;
	[tilespmem:$0x18100] =	vst v63  }
0xc4: {  	_ = 	snop  }
0xc5: {  	[tilespmem:s28], [sflag:$0x2] =	stream.indirect_vreg.gather [hbm4b:s3+s2], $0x80, v3, vm0, $0xb8;
	[tilespmem:$0x18100] =	vst v63  }
0xc6: {  	_ = 	snop  }
0xc7: {  	[tilespmem:s29], [sflag:$0x2] =	stream.indirect_vreg.gather [hbm4b:s4+s2], $0x80, v3, vm0, $0xb8;
	[tilespmem:$0x18100] =	vst v63  }
0xc8: {  	_ = 	snop  }
0xc9: {  	[tilespmem:s30], [sflag:$0x2] =	stream.indirect_vreg.gather [hbm4b:s5+s2], $0x80, v3, vm0, $0xb8;
	[tilespmem:$0x18100] =	vst v63  }
0xca: {  	_ =	swait.ge [sflag:s31], $0xC000  }
0xcb: {  	[sflag:s31] =	ssyncset.done $0x0  }
0xcc: {  	[sflag:s31] =	ssyncadd.s32 $0xFFFF4000  }
0xcd: {  	_ =	swait.ge [sflag:s1], $0xC000  }
0xce: {  	[sflag:s1] =	ssyncset.done $0x0  }
0xcf: {  	s10 =	rddreg [dreg:$0x4];
	[sflag:s1] =	ssyncadd.s32 $0xFFFF4000  }
0xd0: {  	[hbm4b:s10+s2] =	stream.linear.scatter [tilespmem:s8], [sflag:$0x3], $0xC000, $0x38;
	[tilespmem:$0x18100] =	vst v63  }
0xd1: {  	_ =	swait.ge [sflag:s7], $0xC000  }
0xd2: {  	p0 =	sne.s32 s6, $0x1;
	[sflag:s7] =	ssyncset.done $0x0  }
.Ltmp0:
0xd3: {  	s10 =	rddreg [dreg:$0x5];
	[sflag:s7] =	ssyncadd.s32 $0xFFFF4000;
	(pc) =	sbr.rel @p0 .LBB2_1-.Ltmp0, $4  }
0xd4: {  	[hbm4b:s10+s2] =	stream.linear.scatter [tilespmem:s9], [sflag:$0x3], $0xC000, $0x38;
	[tilespmem:$0x18100] =	vst v63  }
0xd5: {  	_ =	swait.ge [sflag:s7], $0xC000  }
0xd6: {  	[sflag:s7] =	ssyncset.done $0x0  }
0xd7: {  	s6 =	sadd.s32 $0xFFFFFFFF, s6;
	[sflag:s7] =	ssyncadd.s32 $0xFFFF4000  }
0xd8: {  	_ =	sfence.sel $0x180000  }
0xd9: {  	[bflag:$0x0] =	sbarrier.arrive $0xFFFF  }
0xda: {  	_ =	strace $0x9000004A  }
0xdb: {  	s0 =	stileid.u32;
	[bflag:$0x2] =	sbarrier.arrive $0xFFFF  }
0xdc: {  	p0 =	sne.s32 s0, $0x0;
	s0 =	rddreg [dreg:$0x1]  }
0xdd: {  	s0 =	sadd.s32 @!p0 $0x100000, s0  }
0xde: {  	[sflag:s0] =	ssyncadd.tile.s32 @!p0 $0x1;
	_ =	shalt  }
.Lfunc_end2:
_tile_overlayer_lowered:
.L_overlay_start_2:
0xdf: {  	(tag) =	ssettag $0x2  }
0xe0: {  	s0 =	rddreg [dreg:$0x0];
	s2 =	stileid.u32  }
0xe1: {  	s1 =	rddreg [dreg:$0x1];
	p0 =	sne.s32 s2, $0x0  }
0xe2: {  	s3 =	rddreg [dreg:$0x2];
	[bflag:$0x3] =	sbarrier.arrive $0xFFFF;
	s2 =	simm.s32 @!p0 $0x1C03  }
0xe3: {  	[timem:s3], [sflag:s2] =	dma.local @!p0 [hbm:s0], s1  }
0xe4: {  	s0 =	simm.s32 @!p0 $0x3  }
0xe5: {  	_ =	swait.ge @!p0 [sflag:s0], s1  }
0xe6: {  	s1 =	ssub.s32 @!p0 $0x0, s1;
	[sflag:s0] =	ssyncset.done @!p0 $0x0  }
0xe7: {  	[sflag:s0] =	ssyncadd.s32 @!p0 s1  }
0xe8: {  	[bflag:$0x3] =	sbarrier.arrive $0xFFFF  }
0xe9: {  	_ =	shalt  }

// kernel: kernel.7.cloned.1.call-start
scs
__scs_entry_jumppad:
0x0: {  	(pc) =	sbr.rel $0x88, $3  }
0x1: {  	(tag) =	ssettag $0x0;
	lr =	simm.s32 $0x1  }
0x2: {  	[smem:$0x3F9C] =	sst lr;
	_ =	strace $0xD0000000  }
0x3: {  	_ = 	snop  }
0x4: {  	_ = 	snop  }
0x5: {  	_ = 	snop  }
0x6: {  	_ = 	snop  }
0x7: {  	_ = 	snop  }
__scs_overlays_trampoline_lowered:
0x8: {  	[smem:$0x3FAB] =	sst s0  }
0x9: {  	[smem:$0x3FAC] =	sst s1  }
0xa: {  	[smem:$0x3FAD] =	sst s2  }
0xb: {  	[smem:$0x3FAE] =	sst s3  }
0xc: {  	[smem:$0x3FAF] =	sst s4  }
0xd: {  	[smem:$0x3FB0] =	sst s5  }
0xe: {  	[smem:$0x3FB1] =	sst s6  }
0xf: {  	[smem:$0x3FB2] =	sst s7  }
0x10: {  	[smem:$0x3FB3] =	sst s8  }
0x11: {  	[smem:$0x3FB4] =	sst s9;
	s0 =	simm.s32 @!p0 $0x0  }
0x12: {  	s1 =	sld [smem:$0x3F9A];
	s0 =	simm.s32 @p0 $0x1  }
0x13: {  	[smem:$0x3FB5] =	sst s0;
	s0 =	simm.s32 @!p1 $0x0  }
0x14: {  	s2 =	sld [smem:$0x3F99];
	s0 =	simm.s32 @p1 $0x1  }
0x15: {  	[smem:$0x3FB6] =	sst s0;
	s0 =	simm.s32 @!p2 $0x0  }
0x16: {  	s3 =	sld [smem:$0x3FDB];
	s0 =	simm.s32 @p2 $0x1  }
0x17: {  	s4 =	simm.s32 $0x1BF5;
	[smem:$0x3FB8] =	sst s0  }
0x18: {  	s0 =	sld [smem:$0x3F9B];
	_ =	swait.ge [sflag:s4], $0x0  }
0x19: {  	s7 =	sld [smem:$0x3F9C]  }
0x1a: {  	s8 =	sadd.s32 $0xFFFFE003, lr  }
0x1b: {  	s9 =	sadd.s32 $0xFFFFFEF7, lr;
	s5 =	simm.s32 $0xFFFFFFFF;
	p2 =	slt.u32 s8, $0xFFFFF086  }
0x1c: {  	p1 =	slt.u32 s9, $0xF7A;
	s5 =	simm.s32 @!p2 $0x0  }
0x1d: {  	s5 =	simm.s32 @p1 $0x1;
	p0 =	seq.s32 s7, s2  }
0x1e: {  	s7 =	smul.u32 @!p0 $0xF7A, s2;
	p2 =	seq.s32 @!p0 s5, $0x0  }
0x1f: {  	s9 =	smul.u32 $0xF7A, s1;
	s8 =	simm.s32 @!p0 $0x1BF5;
	p2 =	por !p2, p0  }
0x20: {  	[sflag:s8] =	ssyncset.s32 @!p0 $0xFFFFF086;
	s6 =	sadd.s32 @!p0 s3, s7;
	s7 =	simm.s32 @!p0 $0x108  }
0x21: {  	s3 =	sadd.s32 s3, s9;
	s6 =	sadd.s32 @!p0 $0x88, s6;
	s7 =	simm.s32 @p2 $0x1082  }
0x22: {  	[simem:s7], [sflag:s8] =	dma.local @!p0 [hbm:s6], $0xF7A  }
0x23: {  	s9 =	sor.u32 $0xD0000000, s2;
	s6 =	simm.s32 $0x108;
	_ =	swait.ge @!p0 [sflag:s8], $0x0  }
0x24: {  	s3 =	sadd.s32 $0x88, s3;
	s6 =	simm.s32 @!p1 $0x1082;
	[sflag:s4] =	ssyncset.s32 $0xFFFFF086  }
0x25: {  	[simem:s6], [sflag:s4] =	dma.local [hbm:s3], $0xF7A  }
0x26: {  	[smem:$0x3F9C] =	sst s1;
	(tag) =	ssettag s2;
	_ =	strace s9  }
0x27: {  	s1 =	sld [smem:$0x3FAC]  }
0x28: {  	s2 =	sld [smem:$0x3FAD]  }
0x29: {  	s4 =	sld [smem:$0x3FAF]  }
0x2a: {  	p0 =	seq.s32 s5, $0x0;
	s5 =	sld [smem:$0x3FB0]  }
0x2b: {  	s6 =	sld [smem:$0x3FB1]  }
0x2c: {  	s7 =	sld [smem:$0x3FB2]  }
0x2d: {  	s3 =	simm.s32 $0x108;
	s8 =	sld [smem:$0x3FB3]  }
0x2e: {  	s3 =	simm.s32 @!p0 $0x1082;
	s9 =	sld [smem:$0x3FB4]  }
0x2f: {  	lr =	sadd.s32 s0, s3;
	s0 =	sld [smem:$0x3FAB]  }
0x30: {  	s3 =	sld [smem:$0x3FAE]  }
0x31: {  	[smem:$0x3FB7] =	sst s10  }
0x32: {  	s10 =	sld [smem:$0x3FB5];
	_ =	sdelay $0x3  }
0x33: {  	p0 =	seq.s32 s10, $0x1;
	s10 =	sld [smem:$0x3FB7];
	_ =	sdelay $0x3  }
0x34: {  	[smem:$0x3FB7] =	sst s10  }
0x35: {  	s10 =	sld [smem:$0x3FB6];
	_ =	sdelay $0x3  }
0x36: {  	p1 =	seq.s32 s10, $0x1;
	s10 =	sld [smem:$0x3FB7];
	_ =	sdelay $0x3  }
0x37: {  	[smem:$0x3FB7] =	sst s10  }
0x38: {  	s10 =	sld [smem:$0x3FB8]  }
0x39: {  	_ = 	snop;
	(pc) =	sbr.ind lr, $3  }
0x3a: {  	_ = 	snop  }
0x3b: {  	_ = 	snop  }
0x3c: {  	p2 =	seq.s32 s10, $0x1;
	s10 =	sld [smem:$0x3FB7]  }
0x3d: {  	_ =	shalt  }
0x3e: {  	_ =	shalt  }
0x3f: {  	_ =	shalt  }
0x40: {  	_ =	shalt  }
0x41: {  	_ =	shalt  }
0x42: {  	_ =	shalt  }
0x43: {  	_ =	shalt  }
0x44: {  	_ =	shalt  }
0x45: {  	_ =	shalt  }
0x46: {  	_ =	shalt  }
0x47: {  	_ =	shalt  }
0x48: {  	_ =	shalt  }
0x49: {  	_ =	shalt  }
0x4a: {  	_ =	shalt  }
0x4b: {  	_ =	shalt  }
0x4c: {  	_ =	shalt  }
0x4d: {  	_ =	shalt  }
0x4e: {  	_ =	shalt  }
0x4f: {  	_ =	shalt  }
0x50: {  	_ =	shalt  }
0x51: {  	_ =	shalt  }
0x52: {  	_ =	shalt  }
0x53: {  	_ =	shalt  }
0x54: {  	_ =	shalt  }
0x55: {  	_ =	shalt  }
0x56: {  	_ =	shalt  }
0x57: {  	_ =	shalt  }
0x58: {  	_ =	shalt  }
0x59: {  	_ =	shalt  }
0x5a: {  	_ =	shalt  }
0x5b: {  	_ =	shalt  }
0x5c: {  	_ =	shalt  }
0x5d: {  	_ =	shalt  }
0x5e: {  	_ =	shalt  }
0x5f: {  	_ =	shalt  }
0x60: {  	_ =	shalt  }
0x61: {  	_ =	shalt  }
0x62: {  	_ =	shalt  }
0x63: {  	_ =	shalt  }
0x64: {  	_ =	shalt  }
0x65: {  	_ =	shalt  }
0x66: {  	_ =	shalt  }
0x67: {  	_ =	shalt  }
0x68: {  	_ =	shalt  }
0x69: {  	_ =	shalt  }
0x6a: {  	_ =	shalt  }
0x6b: {  	_ =	shalt  }
0x6c: {  	_ =	shalt  }
0x6d: {  	_ =	shalt  }
0x6e: {  	_ =	shalt  }
0x6f: {  	_ =	shalt  }
0x70: {  	_ =	shalt  }
0x71: {  	_ =	shalt  }
0x72: {  	_ =	shalt  }
0x73: {  	_ =	shalt  }
0x74: {  	_ =	shalt  }
0x75: {  	_ =	shalt  }
0x76: {  	_ =	shalt  }
0x77: {  	_ =	shalt  }
0x78: {  	_ =	shalt  }
0x79: {  	_ =	shalt  }
0x7a: {  	_ =	shalt  }
0x7b: {  	_ =	shalt  }
0x7c: {  	_ =	shalt  }
0x7d: {  	_ =	shalt  }
0x7e: {  	_ =	shalt  }
0x7f: {  	_ =	shalt  }
0x80: {  	_ =	shalt  }
0x81: {  	_ =	shalt  }
0x82: {  	_ =	shalt  }
0x83: {  	_ =	shalt  }
0x84: {  	_ =	shalt  }
0x85: {  	_ =	shalt  }
0x86: {  	_ =	shalt  }
0x87: {  	_ =	shalt  }
.Lfunc_end0:
.L_simem_size_0:
called_computation_lowered:
.L_overlay_start_0:
0x88: {  	s2 =	sld [smem:$0x3FD9]  }
0x89: {  	s3 =	sld [smem:$0x3FFE];
	_ =	sdelay $0x1  }
0x8a: {  	s1 =	srdreg.scid  }
0x8b: {  	s0 =	sand.u32 $0x1, s1  }
0x8c: {  	s14 =	sshll.u32 s0, $0xA;
	s2 =	sadd.s32 s3, s2  }
0x8d: {  	s2 =	sadd.s32 s2, s14  }
0x8e: {  	[smem:$0x3FC3] =	sst s2  }
0x8f: {  	_ = 	snop  }
0x90: {  	s2 =	sld [smem:$0x3FD0];
	_ =	sdelay $0x2  }
0x91: {  	s4 =	simm.s32 $0xA;
	s5 =	simm.s32 $0x10;
	s15 =	sld [smem:$0x3FC9]  }
0x92: {  	[smem:s5], [sflag:s4] =	dma.local [hbm:s2], $0x1  }
0x93: {  	_ =	swait.eq [sflag:s4], $0x1  }
0x94: {  	[sflag:s4] =	ssyncset.done $0x0  }
0x95: {  	[sflag:s4] =	ssyncadd.s32 $0xFFFFFFFF  }
0x96: {  	s16 =	sld [smem:$0x10];
	(tm) =	ssettm $0x1  }
0x97: {  	s17 =	sld [smem:$0x3FFB];
	_ =	sdelay $0x3  }
0x98: {  	_ =	strace s17  }
0x99: {  	s4 =	sld [smem:$0x3FFC];
	_ =	sdelay $0x3  }
0x9a: {  	_ =	strace s4  }
0x9b: {  	s4 =	sld [smem:$0x3FFD];
	_ =	sdelay $0x3  }
0x9c: {  	_ =	strace s4  }
0x9d: {  	_ =	strace $0x8FFFFFFF  }
0x9e: {  	s18 =	sld [smem:$0x3FDB];
	_ =	sdelay $0x1  }
0x9f: {  	s19 =	simm.s32 $_scs_section_size  }
0xa0: {  	s6 =	simm.s32 $_size__tile_overlayer_lowered;
	s7 =	simm.s32 $_tile_overlayer_lowered  }
0xa1: {  	s22 =	simm.s32 $0x1BFF;
	s21 =	sshll.u32 s7, $0x1;
	s4 =	sadd.s32 s19, s18  }
0xa2: {  	s8 =	simm.s32 $0x0;
	s20 =	sshll.u32 s6, $0x1;
	s6 =	sadd.s32 s21, s4  }
0xa3: {  	[timem:s8], [sflag:s22] =	dma.local [hbm:s6], s20  }
0xa4: {  	_ =	swait.ge [sflag:s22], s20  }
0xa5: {  	s5 =	ssub.s32 $0x0, s20;
	[sflag:s22] =	ssyncset.done $0x0  }
0xa6: {  	[sflag:s22] =	ssyncadd.s32 s5;
	_ =	sdelay $0x1  }
0xa7: {  	s23 =	simm.s32 $0x1B8B  }
0xa8: {  	_ =	swait.ge [sflag:s23], $0x1  }
0xa9: {  	[sflag:s23] =	ssyncset.done $0x0  }
0xaa: {  	s25 =	simm.s32 $0x1B8E;
	s24 =	sld [smem:$0x3FFE];
	[sflag:s23] =	ssyncadd.s32 $0xFFFFFFFF  }
0xab: {  	s26 =	simm.s32 $execute0_lowered;
	[smem:$0x3FD2] =	sst s25  }
0xac: {  	s6 =	sshll.u32 s26, $0x1;
	_ =	strace $0x80000046;
	[dreg:$0x1] =	wrdreg $0xFFFFFFFF  }
0xad: {  	s28 =	simm.s32 $_size_execute0_lowered;
	s4 =	sadd.s32 s4, s6;
	[dreg:$0x0] =	wrdreg $0x0  }
0xae: {  	s6 =	sshll.u32 s28, $0x1;
	[dreg:$0x2] =	wrdreg s4  }
0xaf: {  	[dreg:$0x3] =	wrdreg s6  }
0xb0: {  	[dreg:$0x4] =	wrdreg $0xC0  }
0xb1: {  	_ =	task [dreg:s8], $0x5FFFF  }
0xb2: {  	[dreg:$0x1] =	wrdreg $0xFFFFFFFF  }
0xb3: {  	[dreg:$0x0] =	wrdreg $0x60  }
0xb4: {  	[dreg:$0x2] =	wrdreg s15  }
0xb5: {  	[dreg:$0x3] =	wrdreg s16  }
0xb6: {  	[dreg:$0x4] =	wrdreg s24  }
0xb7: {  	[dreg:$0x5] =	wrdreg $0x9  }
0xb8: {  	_ =	task.clear_ibuf [dreg:s8], $0x6FFFF;
	_ =	strace $0x90000046  }
0xb9: {  	s29 =	simm.s32 $0x9;
	_ =	strace $0x80000048  }
0xba: {  	_ =	swait.ge [sflag:s29], $0x1  }
0xbb: {  	[sflag:s29] =	ssyncadd.s32 $0xFFFFFFFF  }
0xbc: {  	_ =	strace $0x90000048  }
0xbd: {  	_ =	sfence  }
0xbe: {  	s30 =	sld [smem:$0x0];
	_ =	sdelay $0x2  }
0xbf: {  	s31 =	sshll.u32 s1, $0xD;
	s1 =	sshrl.u32 s1, $0x2  }
0xc0: {  	s3 =	sand.u32 $0x4000, s31;
	s1 =	sadd.s32 s1, s30  }
0xc1: {  	s0 =	sor.u32 s3, s0;
	s1 =	sshll.u32 s1, $0x11  }
0xc2: {  	s0 =	sor.u32 s1, s0  }
0xc3: {  	s0 =	sadd.s32 $0x8F2B, s0  }
0xc4: {  	[sflag:s0] =	ssyncadd.remote.s32 $0x1  }
0xc5: {  	_ =	sfence.sel $0xFFFF  }
0xc6: {  	[dreg:$0x0] =	wrdreg $0xFFFFFFFF;
	(pc) =	sbr.abs _section_cstart, $3  }
0xc7: {  	[dreg:$0x1] =	wrdreg $0xFFFFFFFF  }
0xc8: {  	_ =	task.clear_ibuf [dreg:s8], $0x2FFFF;
	_ =	strace $0x9FFFFFFF  }
0xc9: {  	(tm) =	ssettm $0x7FFFFFFF  }
tec
execute0_lowered:
.L_overlay_start_1:
0x0: {  	(tag) =	ssettag $0x1  }
0x1: {  	s1 =	srdreg.scid  }
0x2: {  	s3 =	rddreg [dreg:$0x0];
	s0 =	stileid.u32;
	s1 =	sand.u32 $0x1, s1  }
0x3: {  	s4 =	rddreg [dreg:$0x1];
	s2 =	sshll.u32 s0, $0x5;
	s5 =	sshll.u32 s1, $0x4  }
0x4: {  	s6 =	rddreg [dreg:$0x2];
	s5 =	sor.u32 s5, s2;
	s2 =	simm.s32 $0x0  }
0x5: {  	[smem:$0x7FF] =	sst s2;
	s4 =	sadd.s32 s4, s5  }
0x6: {  	s24 =	simm.s32 $0x880;
	_ =	strace $0x80000047;
	[dreg:$0x4] =	wrdreg s4  }
0x7: {  	s25 =	simm.s32 $0x1080;
	[dreg:$0x6] =	wrdreg s24  }
0x8: {  	s26 =	simm.s32 $0x1880;
	[dreg:$0x7] =	wrdreg s25  }
0x9: {  	s0 =	simm.s32 $0x2080;
	[dreg:$0x8] =	wrdreg s26  }
0xa: {  	s7 =	sand.u32 $0xF0, s5;
	s5 =	simm.s32 $0x3080;
	[dreg:$0x9] =	wrdreg s0  }
0xb: {  	s8 =	simm.s32 $0x4080;
	[dreg:$0xb] =	wrdreg s5  }
0xc: {  	s9 =	simm.s32 $0x4880;
	[dreg:$0xd] =	wrdreg s8  }
0xd: {  	s10 =	simm.s32 $0x5080;
	[dreg:$0xe] =	wrdreg s9  }
0xe: {  	s11 =	simm.s32 $0x5880;
	[dreg:$0xf] =	wrdreg s10  }
0xf: {  	s12 =	simm.s32 $0x6080;
	[dreg:$0x10] =	wrdreg s11  }
0x10: {  	s13 =	simm.s32 $0x6880;
	[dreg:$0x11] =	wrdreg s12  }
0x11: {  	s14 =	simm.s32 $0x7080;
	s15 =	simm.s32 $0x7880;
	[dreg:$0x12] =	wrdreg s13  }
0x12: {  	s16 =	simm.s32 $0x8080;
	s17 =	simm.s32 $0x8880;
	[dreg:$0x13] =	wrdreg s14  }
0x13: {  	s18 =	simm.s32 $0x9080;
	s20 =	simm.s32 $0x9880;
	[dreg:$0x14] =	wrdreg s15  }
0x14: {  	s21 =	simm.s32 $0xA080;
	s22 =	simm.s32 $0xA880;
	[dreg:$0x15] =	wrdreg s16  }
0x15: {  	s23 =	simm.s32 $0xB080;
	s28 =	simm.s32 $0x16080;
	[dreg:$0x16] =	wrdreg s17  }
0x16: {  	s29 =	simm.s32 $0x16880;
	s1 =	ssub.s32 $0x2, s1;
	[dreg:$0x17] =	wrdreg s18  }
0x17: {  	s30 =	simm.s32 $0x17080;
	s19 =	sshrl.u32 s1, $0x1;
	[dreg:$0x18] =	wrdreg s20  }
0x18: {  	s31 =	simm.s32 $0x17880;
	s1 =	ssub.s32 s1, s19;
	[dreg:$0x19] =	wrdreg s21  }
0x19: {  	s19 =	simm.s32 $0x12080;
	s7 =	smul.u32 $0x300, s7;
	[dreg:$0x1a] =	wrdreg s22  }
0x1a: {  	s4 =	simm.s32 $0x2880;
	s5 =	sadd.s32 $0x1600, s6;
	[dreg:$0x1b] =	wrdreg s23  }
0x1b: {  	s24 =	simm.s32 $0xB880;
	s25 =	simm.s32 $0xC080;
	s8 =	simm.s32 $0x80  }
0x1c: {  	s26 =	simm.s32 $0xC880;
	s10 =	simm.s32 $0xD880;
	s11 =	simm.s32 $0xE080  }
0x1d: {  	s12 =	simm.s32 $0xE880;
	s13 =	simm.s32 $0xF080;
	s14 =	simm.s32 $0xF880  }
0x1e: {  	s15 =	simm.s32 $0x10080;
	s16 =	simm.s32 $0x10880;
	s17 =	simm.s32 $0x11080  }
0x1f: {  	s18 =	simm.s32 $0x11880;
	s20 =	simm.s32 $0x12880;
	[dreg:$0xa] =	wrdreg s4  }
0x20: {  	s21 =	simm.s32 $0x13080;
	s22 =	simm.s32 $0x13880;
	[dreg:$0x1c] =	wrdreg s24  }
0x21: {  	s23 =	simm.s32 $0x14080;
	s4 =	sadd.s32 $0x1500, s6;
	[dreg:$0x1d] =	wrdreg s25  }
0x22: {  	[dreg:$0x1e] =	wrdreg s26;
	s24 =	simm.s32 $0x14880;
	s3 =	sadd.s32 s3, s7  }
0x23: {  	v2 =	vlaneseq.u32;
	s25 =	simm.s32 $0x15080;
	s7 =	simm.s32 $0x3880;
	[dreg:$0x5] =	wrdreg s3  }
0x24: {  	vm0 =	vmmov $0xffff;
	v1 =	vshrl.u32 v2, $0x3;
	s26 =	simm.s32 $0x15880;
	[dreg:$0xc] =	wrdreg s7;
	s3 =	sadd.s32 $0x1400, s6  }
0x25: {  	v0 =	vand.u32 $0x7, v2;
	v2 =	vor.u32 $0x8, v2;
	v1 =	vmul.u32 $0x8, v1;
	s6 =	smax.u32 s1, $0x1;
	s7 =	simm.s32 $0x2;
	s1 =	simm.s32 $0x1  }
.LBB2_1:
0x26: {  	s0 =	rddreg [dreg:$0x4]  }
0x27: {  	[tilespmem:s2], [sflag:$0x2] =	stream.linear.gather [hbm4b:s0+s2], $0x80, $0x38;
	[tilespmem:$0x18080] =	vst v63  }
0x28: {  	_ =	swait.ge [sflag:s7], $0x80  }
0x29: {  	[sflag:s7] =	ssyncset.done $0x0  }
0x2a: {  	s9 =	rddreg [dreg:$0x5];
	[sflag:s7] =	ssyncadd.s32 $0xFFFFFF80  }
0x2b: {  	[tilespmem:s8], [sflag:$0x2] =	stream.linear.gather [hbm4b:s9+s2], $0x18000, $0x38;
	[tilespmem:$0x18080] =	vst v63  }
0x2c: {  	_ =	swait.ge [sflag:s7], $0x18000  }
0x2d: {  	[sflag:s7] =	ssyncset.done $0x0  }
0x2e: {  	[sflag:s7] =	ssyncadd.s32 $0xFFFE8000  }
0x2f: {  	v3 =	vld [tilespmem:$0x0];
	_ =	sdelay $0x4  }
0x30: {  	v4 =	vshrl.u32 v3, $0x3  }
0x31: {  	v4 =	vmul.u32 $0x30, v4  }
0x32: {  	v3 =	vand.u32 $0x7, v3  }
0x33: {  	v3 =	vor.u32 v3, v4  }
0x34: {  	v4 =	vperm.xlane v3, v0;
	_ =	sdelay $0x1  }
0x35: {  	v4 =	vadd.s32 v1, v4;
	_ =	sdelay $0x3  }
0x36: {  	v3 =	vperm.xlane v3, v2  }
0x37: {  	[hbm4b:s3+s2] =	stream.indirect_vreg.scatter [tilespmem:s8], [sflag:$0x1], $0x80, v4, vm0, $0xb8;
	[tilespmem:$0x18080] =	vst v63  }
0x38: {  	s0 =	rddreg [dreg:$0x6];
	v3 =	vadd.s32 v1, v3  }
0x39: {  	[hbm4b:s4+s2] =	stream.indirect_vreg.scatter [tilespmem:s0], [sflag:$0x1], $0x80, v4, vm0, $0xb8;
	[tilespmem:$0x18080] =	vst v63  }
0x3a: {  	s9 =	rddreg [dreg:$0x7]  }
0x3b: {  	[hbm4b:s5+s2] =	stream.indirect_vreg.scatter [tilespmem:s9], [sflag:$0x1], $0x80, v4, vm0, $0xb8;
	[tilespmem:$0x18080] =	vst v63  }
0x3c: {  	s0 =	rddreg [dreg:$0x8]  }
0x3d: {  	[hbm4b:s3+s2] =	stream.indirect_vreg.scatter [tilespmem:s0], [sflag:$0x1], $0x80, v3, vm0, $0xb8;
	[tilespmem:$0x18080] =	vst v63  }
0x3e: {  	s9 =	rddreg [dreg:$0x9]  }
0x3f: {  	[hbm4b:s4+s2] =	stream.indirect_vreg.scatter [tilespmem:s9], [sflag:$0x1], $0x80, v3, vm0, $0xb8;
	[tilespmem:$0x18080] =	vst v63  }
0x40: {  	s0 =	rddreg [dreg:$0xa]  }
0x41: {  	[hbm4b:s5+s2] =	stream.indirect_vreg.scatter [tilespmem:s0], [sflag:$0x1], $0x80, v3, vm0, $0xb8;
	[tilespmem:$0x18080] =	vst v63  }
0x42: {  	v3 =	vld [tilespmem:$0x10];
	_ =	sdelay $0x4  }
0x43: {  	v57 =	vshrl.u32 v3, $0x3  }
0x44: {  	v4 =	vmul.u32 $0x30, v57  }
0x45: {  	v3 =	vand.u32 $0x7, v3  }
0x46: {  	v3 =	vor.u32 v3, v4  }
0x47: {  	v4 =	vperm.xlane v3, v0;
	_ =	sdelay $0x1  }
0x48: {  	v4 =	vadd.s32 v1, v4;
	_ =	sdelay $0x3  }
0x49: {  	s0 =	rddreg [dreg:$0xb];
	v3 =	vperm.xlane v3, v2  }
0x4a: {  	[hbm4b:s3+s2] =	stream.indirect_vreg.scatter [tilespmem:s0], [sflag:$0x1], $0x80, v4, vm0, $0xb8;
	[tilespmem:$0x18080] =	vst v63  }
0x4b: {  	s9 =	rddreg [dreg:$0xc];
	v3 =	vadd.s32 v1, v3  }
0x4c: {  	[hbm4b:s4+s2] =	stream.indirect_vreg.scatter [tilespmem:s9], [sflag:$0x1], $0x80, v4, vm0, $0xb8;
	[tilespmem:$0x18080] =	vst v63  }
0x4d: {  	s0 =	rddreg [dreg:$0xd]  }
0x4e: {  	[hbm4b:s5+s2] =	stream.indirect_vreg.scatter [tilespmem:s0], [sflag:$0x1], $0x80, v4, vm0, $0xb8;
	[tilespmem:$0x18080] =	vst v63  }
0x4f: {  	s9 =	rddreg [dreg:$0xe]  }
0x50: {  	[hbm4b:s3+s2] =	stream.indirect_vreg.scatter [tilespmem:s9], [sflag:$0x1], $0x80, v3, vm0, $0xb8;
	[tilespmem:$0x18080] =	vst v63  }
0x51: {  	s0 =	rddreg [dreg:$0xf]  }
0x52: {  	[hbm4b:s4+s2] =	stream.indirect_vreg.scatter [tilespmem:s0], [sflag:$0x1], $0x80, v3, vm0, $0xb8;
	[tilespmem:$0x18080] =	vst v63  }
0x53: {  	s9 =	rddreg [dreg:$0x10]  }
0x54: {  	[hbm4b:s5+s2] =	stream.indirect_vreg.scatter [tilespmem:s9], [sflag:$0x1], $0x80, v3, vm0, $0xb8;
	[tilespmem:$0x18080] =	vst v63  }
0x55: {  	v3 =	vld [tilespmem:$0x20];
	_ =	sdelay $0x4  }
0x56: {  	v58 =	vshrl.u32 v3, $0x3  }
0x57: {  	v4 =	vmul.u32 $0x30, v58  }
0x58: {  	v3 =	vand.u32 $0x7, v3  }
0x59: {  	v3 =	vor.u32 v3, v4  }
0x5a: {  	v4 =	vperm.xlane v3, v0;
	_ =	sdelay $0x1  }
0x5b: {  	v4 =	vadd.s32 v1, v4;
	_ =	sdelay $0x3  }
0x5c: {  	s0 =	rddreg [dreg:$0x11];
	v3 =	vperm.xlane v3, v2  }
0x5d: {  	[hbm4b:s3+s2] =	stream.indirect_vreg.scatter [tilespmem:s0], [sflag:$0x1], $0x80, v4, vm0, $0xb8;
	[tilespmem:$0x18080] =	vst v63  }
0x5e: {  	s9 =	rddreg [dreg:$0x12];
	v3 =	vadd.s32 v1, v3  }
0x5f: {  	[hbm4b:s4+s2] =	stream.indirect_vreg.scatter [tilespmem:s9], [sflag:$0x1], $0x80, v4, vm0, $0xb8;
	[tilespmem:$0x18080] =	vst v63  }
0x60: {  	s0 =	rddreg [dreg:$0x13]  }
0x61: {  	[hbm4b:s5+s2] =	stream.indirect_vreg.scatter [tilespmem:s0], [sflag:$0x1], $0x80, v4, vm0, $0xb8;
	[tilespmem:$0x18080] =	vst v63  }
0x62: {  	s9 =	rddreg [dreg:$0x14]  }
0x63: {  	[hbm4b:s3+s2] =	stream.indirect_vreg.scatter [tilespmem:s9], [sflag:$0x1], $0x80, v3, vm0, $0xb8;
	[tilespmem:$0x18080] =	vst v63  }
0x64: {  	s0 =	rddreg [dreg:$0x15]  }
0x65: {  	[hbm4b:s4+s2] =	stream.indirect_vreg.scatter [tilespmem:s0], [sflag:$0x1], $0x80, v3, vm0, $0xb8;
	[tilespmem:$0x18080] =	vst v63  }
0x66: {  	s9 =	rddreg [dreg:$0x16]  }
0x67: {  	[hbm4b:s5+s2] =	stream.indirect_vreg.scatter [tilespmem:s9], [sflag:$0x1], $0x80, v3, vm0, $0xb8;
	[tilespmem:$0x18080] =	vst v63  }
0x68: {  	v3 =	vld [tilespmem:$0x30];
	_ =	sdelay $0x4  }
0x69: {  	v59 =	vshrl.u32 v3, $0x3  }
0x6a: {  	v4 =	vmul.u32 $0x30, v59  }
0x6b: {  	v3 =	vand.u32 $0x7, v3  }
0x6c: {  	v3 =	vor.u32 v3, v4  }
0x6d: {  	v4 =	vperm.xlane v3, v0;
	_ =	sdelay $0x1  }
0x6e: {  	v4 =	vadd.s32 v1, v4;
	_ =	sdelay $0x3  }
0x6f: {  	s0 =	rddreg [dreg:$0x17];
	v3 =	vperm.xlane v3, v2  }
0x70: {  	[hbm4b:s3+s2] =	stream.indirect_vreg.scatter [tilespmem:s0], [sflag:$0x1], $0x80, v4, vm0, $0xb8;
	[tilespmem:$0x18080] =	vst v63  }
0x71: {  	s9 =	rddreg [dreg:$0x18];
	v3 =	vadd.s32 v1, v3  }
0x72: {  	[hbm4b:s4+s2] =	stream.indirect_vreg.scatter [tilespmem:s9], [sflag:$0x1], $0x80, v4, vm0, $0xb8;
	[tilespmem:$0x18080] =	vst v63  }
0x73: {  	s0 =	rddreg [dreg:$0x19]  }
0x74: {  	[hbm4b:s5+s2] =	stream.indirect_vreg.scatter [tilespmem:s0], [sflag:$0x1], $0x80, v4, vm0, $0xb8;
	[tilespmem:$0x18080] =	vst v63  }
0x75: {  	s9 =	rddreg [dreg:$0x1a]  }
0x76: {  	[hbm4b:s3+s2] =	stream.indirect_vreg.scatter [tilespmem:s9], [sflag:$0x1], $0x80, v3, vm0, $0xb8;
	[tilespmem:$0x18080] =	vst v63  }
0x77: {  	s0 =	rddreg [dreg:$0x1b]  }
0x78: {  	[hbm4b:s4+s2] =	stream.indirect_vreg.scatter [tilespmem:s0], [sflag:$0x1], $0x80, v3, vm0, $0xb8;
	[tilespmem:$0x18080] =	vst v63  }
0x79: {  	s9 =	rddreg [dreg:$0x1c]  }
0x7a: {  	[hbm4b:s5+s2] =	stream.indirect_vreg.scatter [tilespmem:s9], [sflag:$0x1], $0x80, v3, vm0, $0xb8;
	[tilespmem:$0x18080] =	vst v63  }
0x7b: {  	v3 =	vld [tilespmem:$0x40];
	_ =	sdelay $0x4  }
0x7c: {  	v60 =	vshrl.u32 v3, $0x3  }
0x7d: {  	v4 =	vmul.u32 $0x30, v60  }
0x7e: {  	v3 =	vand.u32 $0x7, v3  }
0x7f: {  	v3 =	vor.u32 v3, v4  }
0x80: {  	v4 =	vperm.xlane v3, v0;
	_ =	sdelay $0x1  }
0x81: {  	v4 =	vadd.s32 v1, v4;
	_ =	sdelay $0x3  }
0x82: {  	s0 =	rddreg [dreg:$0x1d];
	v3 =	vperm.xlane v3, v2  }
0x83: {  	[hbm4b:s3+s2] =	stream.indirect_vreg.scatter [tilespmem:s0], [sflag:$0x1], $0x80, v4, vm0, $0xb8;
	[tilespmem:$0x18080] =	vst v63  }
0x84: {  	s9 =	rddreg [dreg:$0x1e];
	v3 =	vadd.s32 v1, v3  }
0x85: {  	[hbm4b:s4+s2] =	stream.indirect_vreg.scatter [tilespmem:s9], [sflag:$0x1], $0x80, v4, vm0, $0xb8;
	[tilespmem:$0x18080] =	vst v63  }
0x86: {  	s9 =	simm.s32 $0xD080  }
0x87: {  	[hbm4b:s5+s2] =	stream.indirect_vreg.scatter [tilespmem:s9], [sflag:$0x1], $0x80, v4, vm0, $0xb8;
	[tilespmem:$0x18080] =	vst v63  }
0x88: {  	_ = 	snop  }
0x89: {  	[hbm4b:s3+s2] =	stream.indirect_vreg.scatter [tilespmem:s10], [sflag:$0x1], $0x80, v3, vm0, $0xb8;
	[tilespmem:$0x18080] =	vst v63  }
0x8a: {  	_ = 	snop  }
0x8b: {  	[hbm4b:s4+s2] =	stream.indirect_vreg.scatter [tilespmem:s11], [sflag:$0x1], $0x80, v3, vm0, $0xb8;
	[tilespmem:$0x18080] =	vst v63  }
0x8c: {  	_ = 	snop  }
0x8d: {  	[hbm4b:s5+s2] =	stream.indirect_vreg.scatter [tilespmem:s12], [sflag:$0x1], $0x80, v3, vm0, $0xb8;
	[tilespmem:$0x18080] =	vst v63  }
0x8e: {  	v3 =	vld [tilespmem:$0x50];
	_ =	sdelay $0x4  }
0x8f: {  	v61 =	vshrl.u32 v3, $0x3  }
0x90: {  	v4 =	vmul.u32 $0x30, v61  }
0x91: {  	v3 =	vand.u32 $0x7, v3  }
0x92: {  	v3 =	vor.u32 v3, v4  }
0x93: {  	v4 =	vperm.xlane v3, v0;
	_ =	sdelay $0x1  }
0x94: {  	v4 =	vadd.s32 v1, v4;
	_ =	sdelay $0x3  }
0x95: {  	v3 =	vperm.xlane v3, v2  }
0x96: {  	[hbm4b:s3+s2] =	stream.indirect_vreg.scatter [tilespmem:s13], [sflag:$0x1], $0x80, v4, vm0, $0xb8;
	[tilespmem:$0x18080] =	vst v63  }
0x97: {  	v3 =	vadd.s32 v1, v3  }
0x98: {  	[hbm4b:s4+s2] =	stream.indirect_vreg.scatter [tilespmem:s14], [sflag:$0x1], $0x80, v4, vm0, $0xb8;
	[tilespmem:$0x18080] =	vst v63  }
0x99: {  	_ = 	snop  }
0x9a: {  	[hbm4b:s5+s2] =	stream.indirect_vreg.scatter [tilespmem:s15], [sflag:$0x1], $0x80, v4, vm0, $0xb8;
	[tilespmem:$0x18080] =	vst v63  }
0x9b: {  	_ = 	snop  }
0x9c: {  	[hbm4b:s3+s2] =	stream.indirect_vreg.scatter [tilespmem:s16], [sflag:$0x1], $0x80, v3, vm0, $0xb8;
	[tilespmem:$0x18080] =	vst v63  }
0x9d: {  	_ = 	snop  }
0x9e: {  	[hbm4b:s4+s2] =	stream.indirect_vreg.scatter [tilespmem:s17], [sflag:$0x1], $0x80, v3, vm0, $0xb8;
	[tilespmem:$0x18080] =	vst v63  }
0x9f: {  	_ = 	snop  }
0xa0: {  	[hbm4b:s5+s2] =	stream.indirect_vreg.scatter [tilespmem:s18], [sflag:$0x1], $0x80, v3, vm0, $0xb8;
	[tilespmem:$0x18080] =	vst v63  }
0xa1: {  	v3 =	vld [tilespmem:$0x60];
	_ =	sdelay $0x4  }
0xa2: {  	v62 =	vshrl.u32 v3, $0x3  }
0xa3: {  	v4 =	vmul.u32 $0x30, v62  }
0xa4: {  	v3 =	vand.u32 $0x7, v3  }
0xa5: {  	v3 =	vor.u32 v3, v4  }
0xa6: {  	v4 =	vperm.xlane v3, v0;
	_ =	sdelay $0x1  }
0xa7: {  	v4 =	vadd.s32 v1, v4;
	_ =	sdelay $0x3  }
0xa8: {  	v3 =	vperm.xlane v3, v2  }
0xa9: {  	[hbm4b:s3+s2] =	stream.indirect_vreg.scatter [tilespmem:s19], [sflag:$0x1], $0x80, v4, vm0, $0xb8;
	[tilespmem:$0x18080] =	vst v63  }
0xaa: {  	v3 =	vadd.s32 v1, v3  }
0xab: {  	[hbm4b:s4+s2] =	stream.indirect_vreg.scatter [tilespmem:s20], [sflag:$0x1], $0x80, v4, vm0, $0xb8;
	[tilespmem:$0x18080] =	vst v63  }
0xac: {  	_ = 	snop  }
0xad: {  	[hbm4b:s5+s2] =	stream.indirect_vreg.scatter [tilespmem:s21], [sflag:$0x1], $0x80, v4, vm0, $0xb8;
	[tilespmem:$0x18080] =	vst v63  }
0xae: {  	_ = 	snop  }
0xaf: {  	[hbm4b:s3+s2] =	stream.indirect_vreg.scatter [tilespmem:s22], [sflag:$0x1], $0x80, v3, vm0, $0xb8;
	[tilespmem:$0x18080] =	vst v63  }
0xb0: {  	_ = 	snop  }
0xb1: {  	[hbm4b:s4+s2] =	stream.indirect_vreg.scatter [tilespmem:s23], [sflag:$0x1], $0x80, v3, vm0, $0xb8;
	[tilespmem:$0x18080] =	vst v63  }
0xb2: {  	_ = 	snop  }
0xb3: {  	[hbm4b:s5+s2] =	stream.indirect_vreg.scatter [tilespmem:s24], [sflag:$0x1], $0x80, v3, vm0, $0xb8;
	[tilespmem:$0x18080] =	vst v63  }
0xb4: {  	v3 =	vld [tilespmem:$0x70];
	_ =	sdelay $0x4  }
0xb5: {  	v63 =	vshrl.u32 v3, $0x3  }
0xb6: {  	v4 =	vmul.u32 $0x30, v63  }
0xb7: {  	v3 =	vand.u32 $0x7, v3  }
0xb8: {  	v3 =	vor.u32 v3, v4  }
0xb9: {  	v4 =	vperm.xlane v3, v0;
	_ =	sdelay $0x1  }
0xba: {  	v4 =	vadd.s32 v1, v4;
	_ =	sdelay $0x3  }
0xbb: {  	v3 =	vperm.xlane v3, v2  }
0xbc: {  	[hbm4b:s3+s2] =	stream.indirect_vreg.scatter [tilespmem:s25], [sflag:$0x1], $0x80, v4, vm0, $0xb8;
	[tilespmem:$0x18080] =	vst v63  }
0xbd: {  	v3 =	vadd.s32 v1, v3  }
0xbe: {  	[hbm4b:s4+s2] =	stream.indirect_vreg.scatter [tilespmem:s26], [sflag:$0x1], $0x80, v4, vm0, $0xb8;
	[tilespmem:$0x18080] =	vst v63  }
0xbf: {  	_ = 	snop  }
0xc0: {  	[hbm4b:s5+s2] =	stream.indirect_vreg.scatter [tilespmem:s28], [sflag:$0x1], $0x80, v4, vm0, $0xb8;
	[tilespmem:$0x18080] =	vst v63  }
0xc1: {  	_ = 	snop  }
0xc2: {  	[hbm4b:s3+s2] =	stream.indirect_vreg.scatter [tilespmem:s29], [sflag:$0x1], $0x80, v3, vm0, $0xb8;
	[tilespmem:$0x18080] =	vst v63  }
0xc3: {  	p0 =	sne.s32 s6, $0x1  }
0xc4: {  	[hbm4b:s4+s2] =	stream.indirect_vreg.scatter [tilespmem:s30], [sflag:$0x1], $0x80, v3, vm0, $0xb8;
	[tilespmem:$0x18080] =	vst v63  }
.Ltmp0:
0xc5: {  	_ = 	snop;
	(pc) =	sbr.rel @p0 .LBB2_1-.Ltmp0, $4  }
0xc6: {  	[hbm4b:s5+s2] =	stream.indirect_vreg.scatter [tilespmem:s31], [sflag:$0x1], $0x80, v3, vm0, $0xb8;
	[tilespmem:$0x18080] =	vst v63  }
0xc7: {  	_ =	swait.ge [sflag:s1], $0x18000  }
0xc8: {  	[sflag:s1] =	ssyncset.done $0x0  }
0xc9: {  	s6 =	sadd.s32 $0xFFFFFFFF, s6;
	[sflag:s1] =	ssyncadd.s32 $0xFFFE8000  }
0xca: {  	_ =	sfence.sel $0x180000  }
0xcb: {  	[bflag:$0x0] =	sbarrier.arrive $0xFFFF  }
0xcc: {  	_ =	strace $0x90000047  }
0xcd: {  	s0 =	stileid.u32;
	[bflag:$0x2] =	sbarrier.arrive $0xFFFF  }
0xce: {  	p0 =	sne.s32 s0, $0x0;
	s0 =	rddreg [dreg:$0x3]  }
0xcf: {  	s0 =	sadd.s32 @!p0 $0x100000, s0  }
0xd0: {  	[sflag:s0] =	ssyncadd.tile.s32 @!p0 $0x1;
	_ =	shalt  }
.Lfunc_end2:
_tile_overlayer_lowered:
.L_overlay_start_2:
0xd1: {  	(tag) =	ssettag $0x2  }
0xd2: {  	s0 =	rddreg [dreg:$0x0];
	s2 =	stileid.u32  }
0xd3: {  	s1 =	rddreg [dreg:$0x1];
	p0 =	sne.s32 s2, $0x0  }
0xd4: {  	s3 =	rddreg [dreg:$0x2];
	[bflag:$0x3] =	sbarrier.arrive $0xFFFF;
	s2 =	simm.s32 @!p0 $0x1C02  }
0xd5: {  	[timem:s3], [sflag:s2] =	dma.local @!p0 [hbm:s0], s1  }
0xd6: {  	s0 =	simm.s32 @!p0 $0x2  }
0xd7: {  	_ =	swait.ge @!p0 [sflag:s0], s1  }
0xd8: {  	s1 =	ssub.s32 @!p0 $0x0, s1;
	[sflag:s0] =	ssyncset.done @!p0 $0x0  }
0xd9: {  	[sflag:s0] =	ssyncadd.s32 @!p0 s1  }
0xda: {  	[bflag:$0x3] =	sbarrier.arrive $0xFFFF  }
0xdb: {  	_ =	shalt  }

</sc_bundles>
